<compile_context>
chip_gen: v7x
topology: tpu7x:2x2x1
jax: 0.10.2.dev20260603
libtpu: 0.0.44.dev20260713+nightly
codegen_flags: <defaults>
</compile_context>

<pallas_src>
import functools

import jax
import jax.numpy as jnp
from jax import lax
from jax.experimental import pallas as pl
from jax.experimental.pallas import tpu as pltpu
from jax.experimental.pallas import tpu_sc as plsc

_B, _S, _D = 4, 2048, 1024
_NC, _NS = 2, 16
_NW = _NC * _NS
_RW = _S // _NW
_CH = 16
_NCH = _RW // _CH
_NT = _B * _NCH
_L = 16
_CS = _D // _L
_NBUF = 3

_mesh = plsc.VectorSubcoreMesh(core_axis_name="c", subcore_axis_name="s")


@functools.partial(
    pl.kernel,
    mesh=_mesh,
    out_type=jax.ShapeDtypeStruct((_B, _S, _D), jnp.float32),
    scratch_types=[
        pltpu.VMEM((_RW, _D), jnp.float32),
        pltpu.VMEM((_CH, _D), jnp.float32),
        pltpu.VMEM((_CH, _D), jnp.float32),
        pltpu.VMEM((_CH, _D), jnp.float32),
        pltpu.SemaphoreType.DMA,
        pltpu.SemaphoreType.DMA,
        pltpu.SemaphoreType.DMA,
        pltpu.SemaphoreType.DMA,
        pltpu.SemaphoreType.DMA,
        pltpu.SemaphoreType.DMA,
    ],
    compiler_params=pltpu.CompilerParams(use_tc_tiling_on_sc=True),
)
def _sc_add(x_hbm, pe_hbm, out_hbm, pe_v, b0, b1, b2, i0, i1, i2, o0, o1, o2):
    bufs = (b0, b1, b2)
    isems = (i0, i1, i2)
    osems = (o0, o1, o2)
    wid = lax.axis_index("s") * _NC + lax.axis_index("c")
    base_r = wid * _RW
    pltpu.sync_copy(pe_hbm.at[pl.ds(base_r, _RW)], pe_v)

    def rows(t):
        b, c = divmod(t, _NCH)
        return b, c * _CH

    in_d = {}
    out_d = {}
    for t in range(min(2, _NT)):
        bi = t % _NBUF
        b, r0 = rows(t)
        in_d[t] = pltpu.async_copy(
            x_hbm.at[b, pl.ds(base_r + r0, _CH)], bufs[bi], isems[bi])
    for t in range(_NT):
        bi = t % _NBUF
        in_d[t].wait()
        b, r0 = rows(t)
        buf = bufs[bi]

        @plsc.parallel_loop(0, _CH * _CS, 1, unroll=8)
        def _add(j, r0=r0, buf=buf):
            r = j >> 6
            c = pl.multiple_of((j & (_CS - 1)) << 4, _L)
            sl = pl.ds(c, _L)
            buf[r, sl] = buf[r, sl] + pe_v[r0 + r, sl]

        out_d[t] = pltpu.async_copy(
            buf, out_hbm.at[b, pl.ds(base_r + r0, _CH)], osems[bi])
        nt = t + 2
        if nt < _NT:
            if t >= 1:
                out_d[t - 1].wait()
            nbi = nt % _NBUF
            nb, nr0 = rows(nt)
            in_d[nt] = pltpu.async_copy(
                x_hbm.at[nb, pl.ds(base_r + nr0, _CH)], bufs[nbi], isems[nbi])
    for t in range(max(0, _NT - 2), _NT):
        out_d[t].wait()


def kernel(x, pos_table):
    B, S, D = x.shape
    return _sc_add(x, pos_table[:S])

# --- scband reference (transcript-rebuilt; emitter-appended) ---
"""Pipeline reference for scband-absolute-positional-encoding-53352083751358 (READ-ONLY COPY).

The authoritative reference and input builder live on the scoring server;
editing this copy changes nothing except your own understanding.
"""

import jax, jax.numpy as jnp
import numpy as np

D_MODEL = 1024
MAX_LEN = 2048
BATCH = 4
SEQ = 2048

def setup_inputs(seed: int = 0) -> dict:
    key = jax.random.key(seed)
    k1, k2 = jax.random.split(key)
    x = jax.random.normal(k1, (BATCH, SEQ, D_MODEL), dtype=jnp.float32)
    # learned positional embedding table (nn.Embedding(max_len, d_model))
    pos_table = jax.random.normal(k2, (MAX_LEN, D_MODEL), dtype=jnp.float32)
    return {"x": x, "pos_table": pos_table}

def reference(x, pos_table):
    # positions = arange(seq_len) broadcast over batch
    positions = jnp.arange(x.shape[1])
    pe = jnp.take(pos_table, positions, axis=0)  # [S, d_model]
    return x + pe[None, :, :]

if __name__ == "__main__":
    import jax
    _d = setup_inputs()
    print(jax.jit(kernel)(*tuple(_d.values())))

</pallas_src>

<mosaic_0001>
#map = affine_map<(d0, d1) -> (0, 0, 0)>
#map1 = affine_map<(d0, d1) -> (0, 0)>
module attributes {stable_mosaic.version = 14 : i64} {
  func.func @_sc_add(%arg0: i32, %arg1: i32, %arg2: memref<4x2048x1024xf32, #tpu.memory_space<hbm>>, %arg3: memref<2048x1024xf32, #tpu.memory_space<hbm>>, %arg4: memref<4x2048x1024xf32, #tpu.memory_space<hbm>>, %arg5: memref<64x1024xf32, #tpu.memory_space<vmem>>, %arg6: memref<16x1024xf32, #tpu.memory_space<vmem>>, %arg7: memref<16x1024xf32, #tpu.memory_space<vmem>>, %arg8: memref<16x1024xf32, #tpu.memory_space<vmem>>, %arg9: memref<!tpu.dma_semaphore, #tpu.memory_space<semaphore_mem>>, %arg10: memref<!tpu.dma_semaphore, #tpu.memory_space<semaphore_mem>>, %arg11: memref<!tpu.dma_semaphore, #tpu.memory_space<semaphore_mem>>, %arg12: memref<!tpu.dma_semaphore, #tpu.memory_space<semaphore_mem>>, %arg13: memref<!tpu.dma_semaphore, #tpu.memory_space<semaphore_mem>>, %arg14: memref<!tpu.dma_semaphore, #tpu.memory_space<semaphore_mem>>) attributes {dimension_semantics = [#tpu.dimension_semantics<core_parallel>, #tpu.dimension_semantics<subcore_parallel>], iteration_bounds = array<i64: 2, 16>, scalar_prefetch = 0 : i64, scratch_operands = 10 : i64, tpu.core_type = #tpu.core_type<sc_vector_subcore>, window_params = [{transform_indices = #map}, {transform_indices = #map1}, {transform_indices = #map}]} {
    %mul3A = arith.constant 2 : i32
    %mul3A_0 = arith.muli %arg1, %mul3A : i32
    %add3A = arith.addi %mul3A_0, %arg0 : i32
    %mul3A_1 = arith.constant 64 : i32
    %mul3A_2 = arith.muli %add3A, %mul3A_1 : i32
    "tpu.region"() ({
      %run_scoped3A = tpu.sem_alloc : memref<!tpu.dma_semaphore, #tpu.memory_space<semaphore_mem>>
      %dma_start3A_553 = arith.constant 0 : i32
      %dma_start3A_554 = tpu.memref_slice %arg3[%mul3A_2, %dma_start3A_553] : memref<2048x1024xf32, #tpu.memory_space<hbm>> -> memref<64x1024xf32, #tpu.memory_space<hbm>>
      %dma_start3A_555 = arith.constant 0 : i32
      %dma_start3A_556 = tpu.memref_slice %arg3[%mul3A_2, %dma_start3A_555] : memref<2048x1024xf32, #tpu.memory_space<hbm>> -> memref<64x1024xf32, #tpu.memory_space<hbm>>
      tpu.enqueue_dma source(%dma_start3A_556 : memref<64x1024xf32, #tpu.memory_space<hbm>>) target(%arg5 : memref<64x1024xf32, #tpu.memory_space<vmem>>) target_semaphore(%run_scoped3A : memref<!tpu.dma_semaphore, #tpu.memory_space<semaphore_mem>>)
      %dma_wait3A_557 = arith.constant 0 : i32
      %dma_wait3A_558 = tpu.memref_slice %arg3[%mul3A_2, %dma_wait3A_557] : memref<2048x1024xf32, #tpu.memory_space<hbm>> -> memref<64x1024xf32, #tpu.memory_space<hbm>>
      %dma_wait3A_559 = arith.constant 0 : i32
      %dma_wait3A_560 = tpu.memref_slice %arg3[%mul3A_2, %dma_wait3A_559] : memref<2048x1024xf32, #tpu.memory_space<hbm>> -> memref<64x1024xf32, #tpu.memory_space<hbm>>
      tpu.wait_dma2 semaphore(%run_scoped3A : memref<!tpu.dma_semaphore, #tpu.memory_space<semaphore_mem>>) src(%dma_wait3A_560 : memref<64x1024xf32, #tpu.memory_space<hbm>>) dst(%arg5 : memref<64x1024xf32, #tpu.memory_space<vmem>>)
      tpu.yield
    }) : () -> ()
    %add3A_3 = arith.constant 0 : i32
    %add3A_4 = arith.addi %mul3A_2, %add3A_3 : i32
    %dma_start3A = arith.constant 0 : i32
    %dma_start3A_5 = arith.constant 0 : i32
    %dma_start3A_6 = tpu.memref_slice %arg2[%dma_start3A, %add3A_4, %dma_start3A_5] : memref<4x2048x1024xf32, #tpu.memory_space<hbm>> -> memref<1x16x1024xf32, #tpu.memory_space<hbm>>
    %dma_start3A_7 = tpu.memref_squeeze %dma_start3A_6 : memref<1x16x1024xf32, #tpu.memory_space<hbm>> -> memref<16x1024xf32, #tpu.memory_space<hbm>>
    %dma_start3A_8 = arith.constant 0 : i32
    %dma_start3A_9 = tpu.memref_slice %arg2[%dma_start3A, %add3A_4, %dma_start3A_8] : memref<4x2048x1024xf32, #tpu.memory_space<hbm>> -> memref<1x16x1024xf32, #tpu.memory_space<hbm>>
    %dma_start3A_10 = tpu.memref_squeeze %dma_start3A_9 : memref<1x16x1024xf32, #tpu.memory_space<hbm>> -> memref<16x1024xf32, #tpu.memory_space<hbm>>
    tpu.enqueue_dma source(%dma_start3A_10 : memref<16x1024xf32, #tpu.memory_space<hbm>>) target(%arg6 : memref<16x1024xf32, #tpu.memory_space<vmem>>) target_semaphore(%arg9 : memref<!tpu.dma_semaphore, #tpu.memory_space<semaphore_mem>>)
    %add3A_11 = arith.constant 16 : i32
    %add3A_12 = arith.addi %mul3A_2, %add3A_11 : i32
    %dma_start3A_13 = arith.constant 0 : i32
    %dma_start3A_14 = arith.constant 0 : i32
    %dma_start3A_15 = tpu.memref_slice %arg2[%dma_start3A_13, %add3A_12, %dma_start3A_14] : memref<4x2048x1024xf32, #tpu.memory_space<hbm>> -> memref<1x16x1024xf32, #tpu.memory_space<hbm>>
    %dma_start3A_16 = tpu.memref_squeeze %dma_start3A_15 : memref<1x16x1024xf32, #tpu.memory_space<hbm>> -> memref<16x1024xf32, #tpu.memory_space<hbm>>
    %dma_start3A_17 = arith.constant 0 : i32
    %dma_start3A_18 = tpu.memref_slice %arg2[%dma_start3A_13, %add3A_12, %dma_start3A_17] : memref<4x2048x1024xf32, #tpu.memory_space<hbm>> -> memref<1x16x1024xf32, #tpu.memory_space<hbm>>
    %dma_start3A_19 = tpu.memref_squeeze %dma_start3A_18 : memref<1x16x1024xf32, #tpu.memory_space<hbm>> -> memref<16x1024xf32, #tpu.memory_space<hbm>>
    tpu.enqueue_dma source(%dma_start3A_19 : memref<16x1024xf32, #tpu.memory_space<hbm>>) target(%arg7 : memref<16x1024xf32, #tpu.memory_space<vmem>>) target_semaphore(%arg10 : memref<!tpu.dma_semaphore, #tpu.memory_space<semaphore_mem>>)
    %dma_wait3A = arith.constant 0 : i32
    %dma_wait3A_20 = arith.constant 0 : i32
    %dma_wait3A_21 = tpu.memref_slice %arg2[%dma_wait3A, %add3A_4, %dma_wait3A_20] : memref<4x2048x1024xf32, #tpu.memory_space<hbm>> -> memref<1x16x1024xf32, #tpu.memory_space<hbm>>
    %dma_wait3A_22 = tpu.memref_squeeze %dma_wait3A_21 : memref<1x16x1024xf32, #tpu.memory_space<hbm>> -> memref<16x1024xf32, #tpu.memory_space<hbm>>
    %dma_wait3A_23 = arith.constant 0 : i32
    %dma_wait3A_24 = tpu.memref_slice %arg2[%dma_wait3A, %add3A_4, %dma_wait3A_23] : memref<4x2048x1024xf32, #tpu.memory_space<hbm>> -> memref<1x16x1024xf32, #tpu.memory_space<hbm>>
    %dma_wait3A_25 = tpu.memref_squeeze %dma_wait3A_24 : memref<1x16x1024xf32, #tpu.memory_space<hbm>> -> memref<16x1024xf32, #tpu.memory_space<hbm>>
    tpu.wait_dma2 semaphore(%arg9 : memref<!tpu.dma_semaphore, #tpu.memory_space<semaphore_mem>>) src(%dma_wait3A_25 : memref<16x1024xf32, #tpu.memory_space<hbm>>) dst(%arg6 : memref<16x1024xf32, #tpu.memory_space<vmem>>)
    %parallel_loop3A = arith.constant 0 : i32
    %parallel_loop3A_26 = arith.constant 1024 : i32
    %parallel_loop3A_27 = arith.constant 1 : i32
    scf.for %parallel_loop3A_553 = %parallel_loop3A to %parallel_loop3A_26 step %parallel_loop3A_27  : i32 {
      %parallel_loop3A_554 = arith.constant 6 : i32
      %parallel_loop3A_555 = arith.shrsi %parallel_loop3A_553, %parallel_loop3A_554 : i32
      %parallel_loop3A_556 = arith.constant 63 : i32
      %parallel_loop3A_557 = arith.andi %parallel_loop3A_553, %parallel_loop3A_556 : i32
      %parallel_loop3A_558 = arith.constant 4 : i32
      %parallel_loop3A_559 = arith.shli %parallel_loop3A_557, %parallel_loop3A_558 : i32
      %parallel_loop3A_560 = tpu.assume_multiple %parallel_loop3A_559, 16 : i32
      %parallel_loop3A_561 = arith.index_cast %parallel_loop3A_555 : i32 to index
      %parallel_loop3A_562 = arith.index_cast %parallel_loop3A_560 : i32 to index
      %parallel_loop3A_563 = tpu.vector_load %arg6[%parallel_loop3A_561, %parallel_loop3A_562] {strides = array<i32>} : memref<16x1024xf32, #tpu.memory_space<vmem>>, vector<1x16xf32>,
      %parallel_loop3A_564 = vector.shape_cast %parallel_loop3A_563 : vector<1x16xf32> to vector<16xf32>
      %parallel_loop3A_565 = arith.constant 0 : i32
      %parallel_loop3A_566 = arith.addi %parallel_loop3A_565, %parallel_loop3A_555 : i32
      %parallel_loop3A_567 = arith.index_cast %parallel_loop3A_566 : i32 to index
      %parallel_loop3A_568 = arith.index_cast %parallel_loop3A_560 : i32 to index
      %parallel_loop3A_569 = tpu.vector_load %arg5[%parallel_loop3A_567, %parallel_loop3A_568] {strides = array<i32>} : memref<64x1024xf32, #tpu.memory_space<vmem>>, vector<1x16xf32>,
      %parallel_loop3A_570 = vector.shape_cast %parallel_loop3A_569 : vector<1x16xf32> to vector<16xf32>
      %parallel_loop3A_571 = arith.addf %parallel_loop3A_564, %parallel_loop3A_570 : vector<16xf32>
      %parallel_loop3A_572 = arith.index_cast %parallel_loop3A_555 : i32 to index
      %parallel_loop3A_573 = arith.index_cast %parallel_loop3A_560 : i32 to index
      %parallel_loop3A_574 = tpu.vector_load %arg6[%parallel_loop3A_572, %parallel_loop3A_573] {strides = array<i32>} : memref<16x1024xf32, #tpu.memory_space<vmem>>, vector<1x16xf32>,
      %parallel_loop3A_575 = vector.shape_cast %parallel_loop3A_574 : vector<1x16xf32> to vector<16xf32>
      %parallel_loop3A_576 = vector.shape_cast %parallel_loop3A_571 : vector<16xf32> to vector<1x16xf32>
      tpu.vector_store %arg6[%parallel_loop3A_572, %parallel_loop3A_573], %parallel_loop3A_576 {strides = array<i32>} : memref<16x1024xf32, #tpu.memory_space<vmem>>, vector<1x16xf32>,
    } {sc.loop_unroll_factor = 8 : i64, sc.parallel_access}
    %add3A_28 = arith.constant 0 : i32
    %add3A_29 = arith.addi %mul3A_2, %add3A_28 : i32
    %dma_start3A_30 = arith.constant 0 : i32
    %dma_start3A_31 = arith.constant 0 : i32
    %dma_start3A_32 = tpu.memref_slice %arg4[%dma_start3A_30, %add3A_29, %dma_start3A_31] : memref<4x2048x1024xf32, #tpu.memory_space<hbm>> -> memref<1x16x1024xf32, #tpu.memory_space<hbm>>
    %dma_start3A_33 = tpu.memref_squeeze %dma_start3A_32 : memref<1x16x1024xf32, #tpu.memory_space<hbm>> -> memref<16x1024xf32, #tpu.memory_space<hbm>>
    %dma_start3A_34 = arith.constant 0 : i32
    %dma_start3A_35 = tpu.memref_slice %arg4[%dma_start3A_30, %add3A_29, %dma_start3A_34] : memref<4x2048x1024xf32, #tpu.memory_space<hbm>> -> memref<1x16x1024xf32, #tpu.memory_space<hbm>>
    %dma_start3A_36 = tpu.memref_squeeze %dma_start3A_35 : memref<1x16x1024xf32, #tpu.memory_space<hbm>> -> memref<16x1024xf32, #tpu.memory_space<hbm>>
    tpu.enqueue_dma source(%arg6 : memref<16x1024xf32, #tpu.memory_space<vmem>>) target(%dma_start3A_36 : memref<16x1024xf32, #tpu.memory_space<hbm>>) target_semaphore(%arg12 : memref<!tpu.dma_semaphore, #tpu.memory_space<semaphore_mem>>)
    %add3A_37 = arith.constant 32 : i32
    %add3A_38 = arith.addi %mul3A_2, %add3A_37 : i32
    %dma_start3A_39 = arith.constant 0 : i32
    %dma_start3A_40 = arith.constant 0 : i32
    %dma_start3A_41 = tpu.memref_slice %arg2[%dma_start3A_39, %add3A_38, %dma_start3A_40] : memref<4x2048x1024xf32, #tpu.memory_space<hbm>> -> memref<1x16x1024xf32, #tpu.memory_space<hbm>>
    %dma_start3A_42 = tpu.memref_squeeze %dma_start3A_41 : memref<1x16x1024xf32, #tpu.memory_space<hbm>> -> memref<16x1024xf32, #tpu.memory_space<hbm>>
    %dma_start3A_43 = arith.constant 0 : i32
    %dma_start3A_44 = tpu.memref_slice %arg2[%dma_start3A_39, %add3A_38, %dma_start3A_43] : memref<4x2048x1024xf32, #tpu.memory_space<hbm>> -> memref<1x16x1024xf32, #tpu.memory_space<hbm>>
    %dma_start3A_45 = tpu.memref_squeeze %dma_start3A_44 : memref<1x16x1024xf32, #tpu.memory_space<hbm>> -> memref<16x1024xf32, #tpu.memory_space<hbm>>
    tpu.enqueue_dma source(%dma_start3A_45 : memref<16x1024xf32, #tpu.memory_space<hbm>>) target(%arg8 : memref<16x1024xf32, #tpu.memory_space<vmem>>) target_semaphore(%arg11 : memref<!tpu.dma_semaphore, #tpu.memory_space<semaphore_mem>>)
    %dma_wait3A_46 = arith.constant 0 : i32
    %dma_wait3A_47 = arith.constant 0 : i32
    %dma_wait3A_48 = tpu.memref_slice %arg2[%dma_wait3A_46, %add3A_12, %dma_wait3A_47] : memref<4x2048x1024xf32, #tpu.memory_space<hbm>> -> memref<1x16x1024xf32, #tpu.memory_space<hbm>>
    %dma_wait3A_49 = tpu.memref_squeeze %dma_wait3A_48 : memref<1x16x1024xf32, #tpu.memory_space<hbm>> -> memref<16x1024xf32, #tpu.memory_space<hbm>>
    %dma_wait3A_50 = arith.constant 0 : i32
    %dma_wait3A_51 = tpu.memref_slice %arg2[%dma_wait3A_46, %add3A_12, %dma_wait3A_50] : memref<4x2048x1024xf32, #tpu.memory_space<hbm>> -> memref<1x16x1024xf32, #tpu.memory_space<hbm>>
    %dma_wait3A_52 = tpu.memref_squeeze %dma_wait3A_51 : memref<1x16x1024xf32, #tpu.memory_space<hbm>> -> memref<16x1024xf32, #tpu.memory_space<hbm>>
    tpu.wait_dma2 semaphore(%arg10 : memref<!tpu.dma_semaphore, #tpu.memory_space<semaphore_mem>>) src(%dma_wait3A_52 : memref<16x1024xf32, #tpu.memory_space<hbm>>) dst(%arg7 : memref<16x1024xf32, #tpu.memory_space<vmem>>)
    %parallel_loop3A_53 = arith.constant 0 : i32
    %parallel_loop3A_54 = arith.constant 1024 : i32
    %parallel_loop3A_55 = arith.constant 1 : i32
    scf.for %parallel_loop3A_553 = %parallel_loop3A_53 to %parallel_loop3A_54 step %parallel_loop3A_55  : i32 {
      %parallel_loop3A_554 = arith.constant 6 : i32
      %parallel_loop3A_555 = arith.shrsi %parallel_loop3A_553, %parallel_loop3A_554 : i32
      %parallel_loop3A_556 = arith.constant 63 : i32
      %parallel_loop3A_557 = arith.andi %parallel_loop3A_553, %parallel_loop3A_556 : i32
      %parallel_loop3A_558 = arith.constant 4 : i32
      %parallel_loop3A_559 = arith.shli %parallel_loop3A_557, %parallel_loop3A_558 : i32
      %parallel_loop3A_560 = tpu.assume_multiple %parallel_loop3A_559, 16 : i32
      %parallel_loop3A_561 = arith.index_cast %parallel_loop3A_555 : i32 to index
      %parallel_loop3A_562 = arith.index_cast %parallel_loop3A_560 : i32 to index
      %parallel_loop3A_563 = tpu.vector_load %arg7[%parallel_loop3A_561, %parallel_loop3A_562] {strides = array<i32>} : memref<16x1024xf32, #tpu.memory_space<vmem>>, vector<1x16xf32>,
      %parallel_loop3A_564 = vector.shape_cast %parallel_loop3A_563 : vector<1x16xf32> to vector<16xf32>
      %parallel_loop3A_565 = arith.constant 16 : i32
      %parallel_loop3A_566 = arith.addi %parallel_loop3A_565, %parallel_loop3A_555 : i32
      %parallel_loop3A_567 = arith.index_cast %parallel_loop3A_566 : i32 to index
      %parallel_loop3A_568 = arith.index_cast %parallel_loop3A_560 : i32 to index
      %parallel_loop3A_569 = tpu.vector_load %arg5[%parallel_loop3A_567, %parallel_loop3A_568] {strides = array<i32>} : memref<64x1024xf32, #tpu.memory_space<vmem>>, vector<1x16xf32>,
      %parallel_loop3A_570 = vector.shape_cast %parallel_loop3A_569 : vector<1x16xf32> to vector<16xf32>
      %parallel_loop3A_571 = arith.addf %parallel_loop3A_564, %parallel_loop3A_570 : vector<16xf32>
      %parallel_loop3A_572 = arith.index_cast %parallel_loop3A_555 : i32 to index
      %parallel_loop3A_573 = arith.index_cast %parallel_loop3A_560 : i32 to index
      %parallel_loop3A_574 = tpu.vector_load %arg7[%parallel_loop3A_572, %parallel_loop3A_573] {strides = array<i32>} : memref<16x1024xf32, #tpu.memory_space<vmem>>, vector<1x16xf32>,
      %parallel_loop3A_575 = vector.shape_cast %parallel_loop3A_574 : vector<1x16xf32> to vector<16xf32>
      %parallel_loop3A_576 = vector.shape_cast %parallel_loop3A_571 : vector<16xf32> to vector<1x16xf32>
      tpu.vector_store %arg7[%parallel_loop3A_572, %parallel_loop3A_573], %parallel_loop3A_576 {strides = array<i32>} : memref<16x1024xf32, #tpu.memory_space<vmem>>, vector<1x16xf32>,
    } {sc.loop_unroll_factor = 8 : i64, sc.parallel_access}
    %add3A_56 = arith.constant 16 : i32
    %add3A_57 = arith.addi %mul3A_2, %add3A_56 : i32
    %dma_start3A_58 = arith.constant 0 : i32
    %dma_start3A_59 = arith.constant 0 : i32
    %dma_start3A_60 = tpu.memref_slice %arg4[%dma_start3A_58, %add3A_57, %dma_start3A_59] : memref<4x2048x1024xf32, #tpu.memory_space<hbm>> -> memref<1x16x1024xf32, #tpu.memory_space<hbm>>
    %dma_start3A_61 = tpu.memref_squeeze %dma_start3A_60 : memref<1x16x1024xf32, #tpu.memory_space<hbm>> -> memref<16x1024xf32, #tpu.memory_space<hbm>>
    %dma_start3A_62 = arith.constant 0 : i32
    %dma_start3A_63 = tpu.memref_slice %arg4[%dma_start3A_58, %add3A_57, %dma_start3A_62] : memref<4x2048x1024xf32, #tpu.memory_space<hbm>> -> memref<1x16x1024xf32, #tpu.memory_space<hbm>>
    %dma_start3A_64 = tpu.memref_squeeze %dma_start3A_63 : memref<1x16x1024xf32, #tpu.memory_space<hbm>> -> memref<16x1024xf32, #tpu.memory_space<hbm>>
    tpu.enqueue_dma source(%arg7 : memref<16x1024xf32, #tpu.memory_space<vmem>>) target(%dma_start3A_64 : memref<16x1024xf32, #tpu.memory_space<hbm>>) target_semaphore(%arg13 : memref<!tpu.dma_semaphore, #tpu.memory_space<semaphore_mem>>)
    %dma_wait3A_65 = arith.constant 0 : i32
    %dma_wait3A_66 = arith.constant 0 : i32
    %dma_wait3A_67 = tpu.memref_slice %arg4[%dma_wait3A_65, %add3A_29, %dma_wait3A_66] : memref<4x2048x1024xf32, #tpu.memory_space<hbm>> -> memref<1x16x1024xf32, #tpu.memory_space<hbm>>
    %dma_wait3A_68 = tpu.memref_squeeze %dma_wait3A_67 : memref<1x16x1024xf32, #tpu.memory_space<hbm>> -> memref<16x1024xf32, #tpu.memory_space<hbm>>
    %dma_wait3A_69 = arith.constant 0 : i32
    %dma_wait3A_70 = tpu.memref_slice %arg4[%dma_wait3A_65, %add3A_29, %dma_wait3A_69] : memref<4x2048x1024xf32, #tpu.memory_space<hbm>> -> memref<1x16x1024xf32, #tpu.memory_space<hbm>>
    %dma_wait3A_71 = tpu.memref_squeeze %dma_wait3A_70 : memref<1x16x1024xf32, #tpu.memory_space<hbm>> -> memref<16x1024xf32, #tpu.memory_space<hbm>>
    tpu.wait_dma2 semaphore(%arg12 : memref<!tpu.dma_semaphore, #tpu.memory_space<semaphore_mem>>) src(%arg6 : memref<16x1024xf32, #tpu.memory_space<vmem>>) dst(%dma_wait3A_71 : memref<16x1024xf32, #tpu.memory_space<hbm>>)
    %add3A_72 = arith.constant 48 : i32
    %add3A_73 = arith.addi %mul3A_2, %add3A_72 : i32
    %dma_start3A_74 = arith.constant 0 : i32
    %dma_start3A_75 = arith.constant 0 : i32
    %dma_start3A_76 = tpu.memref_slice %arg2[%dma_start3A_74, %add3A_73, %dma_start3A_75] : memref<4x2048x1024xf32, #tpu.memory_space<hbm>> -> memref<1x16x1024xf32, #tpu.memory_space<hbm>>
    %dma_start3A_77 = tpu.memref_squeeze %dma_start3A_76 : memref<1x16x1024xf32, #tpu.memory_space<hbm>> -> memref<16x1024xf32, #tpu.memory_space<hbm>>
    %dma_start3A_78 = arith.constant 0 : i32
    %dma_start3A_79 = tpu.memref_slice %arg2[%dma_start3A_74, %add3A_73, %dma_start3A_78] : memref<4x2048x1024xf32, #tpu.memory_space<hbm>> -> memref<1x16x1024xf32, #tpu.memory_space<hbm>>
    %dma_start3A_80 = tpu.memref_squeeze %dma_start3A_79 : memref<1x16x1024xf32, #tpu.memory_space<hbm>> -> memref<16x1024xf32, #tpu.memory_space<hbm>>
    tpu.enqueue_dma source(%dma_start3A_80 : memref<16x1024xf32, #tpu.memory_space<hbm>>) target(%arg6 : memref<16x1024xf32, #tpu.memory_space<vmem>>) target_semaphore(%arg9 : memref<!tpu.dma_semaphore, #tpu.memory_space<semaphore_mem>>)
    %dma_wait3A_81 = arith.constant 0 : i32
    %dma_wait3A_82 = arith.constant 0 : i32
    %dma_wait3A_83 = tpu.memref_slice %arg2[%dma_wait3A_81, %add3A_38, %dma_wait3A_82] : memref<4x2048x1024xf32, #tpu.memory_space<hbm>> -> memref<1x16x1024xf32, #tpu.memory_space<hbm>>
    %dma_wait3A_84 = tpu.memref_squeeze %dma_wait3A_83 : memref<1x16x1024xf32, #tpu.memory_space<hbm>> -> memref<16x1024xf32, #tpu.memory_space<hbm>>
    %dma_wait3A_85 = arith.constant 0 : i32
    %dma_wait3A_86 = tpu.memref_slice %arg2[%dma_wait3A_81, %add3A_38, %dma_wait3A_85] : memref<4x2048x1024xf32, #tpu.memory_space<hbm>> -> memref<1x16x1024xf32, #tpu.memory_space<hbm>>
    %dma_wait3A_87 = tpu.memref_squeeze %dma_wait3A_86 : memref<1x16x1024xf32, #tpu.memory_space<hbm>> -> memref<16x1024xf32, #tpu.memory_space<hbm>>
    tpu.wait_dma2 semaphore(%arg11 : memref<!tpu.dma_semaphore, #tpu.memory_space<semaphore_mem>>) src(%dma_wait3A_87 : memref<16x1024xf32, #tpu.memory_space<hbm>>) dst(%arg8 : memref<16x1024xf32, #tpu.memory_space<vmem>>)
    %parallel_loop3A_88 = arith.constant 0 : i32
    %parallel_loop3A_89 = arith.constant 1024 : i32
    %parallel_loop3A_90 = arith.constant 1 : i32
    scf.for %parallel_loop3A_553 = %parallel_loop3A_88 to %parallel_loop3A_89 step %parallel_loop3A_90  : i32 {
      %parallel_loop3A_554 = arith.constant 6 : i32
      %parallel_loop3A_555 = arith.shrsi %parallel_loop3A_553, %parallel_loop3A_554 : i32
      %parallel_loop3A_556 = arith.constant 63 : i32
      %parallel_loop3A_557 = arith.andi %parallel_loop3A_553, %parallel_loop3A_556 : i32
      %parallel_loop3A_558 = arith.constant 4 : i32
      %parallel_loop3A_559 = arith.shli %parallel_loop3A_557, %parallel_loop3A_558 : i32
      %parallel_loop3A_560 = tpu.assume_multiple %parallel_loop3A_559, 16 : i32
      %parallel_loop3A_561 = arith.index_cast %parallel_loop3A_555 : i32 to index
      %parallel_loop3A_562 = arith.index_cast %parallel_loop3A_560 : i32 to index
      %parallel_loop3A_563 = tpu.vector_load %arg8[%parallel_loop3A_561, %parallel_loop3A_562] {strides = array<i32>} : memref<16x1024xf32, #tpu.memory_space<vmem>>, vector<1x16xf32>,
      %parallel_loop3A_564 = vector.shape_cast %parallel_loop3A_563 : vector<1x16xf32> to vector<16xf32>
      %parallel_loop3A_565 = arith.constant 32 : i32
      %parallel_loop3A_566 = arith.addi %parallel_loop3A_565, %parallel_loop3A_555 : i32
      %parallel_loop3A_567 = arith.index_cast %parallel_loop3A_566 : i32 to index
      %parallel_loop3A_568 = arith.index_cast %parallel_loop3A_560 : i32 to index
      %parallel_loop3A_569 = tpu.vector_load %arg5[%parallel_loop3A_567, %parallel_loop3A_568] {strides = array<i32>} : memref<64x1024xf32, #tpu.memory_space<vmem>>, vector<1x16xf32>,
      %parallel_loop3A_570 = vector.shape_cast %parallel_loop3A_569 : vector<1x16xf32> to vector<16xf32>
      %parallel_loop3A_571 = arith.addf %parallel_loop3A_564, %parallel_loop3A_570 : vector<16xf32>
      %parallel_loop3A_572 = arith.index_cast %parallel_loop3A_555 : i32 to index
      %parallel_loop3A_573 = arith.index_cast %parallel_loop3A_560 : i32 to index
      %parallel_loop3A_574 = tpu.vector_load %arg8[%parallel_loop3A_572, %parallel_loop3A_573] {strides = array<i32>} : memref<16x1024xf32, #tpu.memory_space<vmem>>, vector<1x16xf32>,
      %parallel_loop3A_575 = vector.shape_cast %parallel_loop3A_574 : vector<1x16xf32> to vector<16xf32>
      %parallel_loop3A_576 = vector.shape_cast %parallel_loop3A_571 : vector<16xf32> to vector<1x16xf32>
      tpu.vector_store %arg8[%parallel_loop3A_572, %parallel_loop3A_573], %parallel_loop3A_576 {strides = array<i32>} : memref<16x1024xf32, #tpu.memory_space<vmem>>, vector<1x16xf32>,
    } {sc.loop_unroll_factor = 8 : i64, sc.parallel_access}
    %add3A_91 = arith.constant 32 : i32
    %add3A_92 = arith.addi %mul3A_2, %add3A_91 : i32
    %dma_start3A_93 = arith.constant 0 : i32
    %dma_start3A_94 = arith.constant 0 : i32
    %dma_start3A_95 = tpu.memref_slice %arg4[%dma_start3A_93, %add3A_92, %dma_start3A_94] : memref<4x2048x1024xf32, #tpu.memory_space<hbm>> -> memref<1x16x1024xf32, #tpu.memory_space<hbm>>
    %dma_start3A_96 = tpu.memref_squeeze %dma_start3A_95 : memref<1x16x1024xf32, #tpu.memory_space<hbm>> -> memref<16x1024xf32, #tpu.memory_space<hbm>>
    %dma_start3A_97 = arith.constant 0 : i32
    %dma_start3A_98 = tpu.memref_slice %arg4[%dma_start3A_93, %add3A_92, %dma_start3A_97] : memref<4x2048x1024xf32, #tpu.memory_space<hbm>> -> memref<1x16x1024xf32, #tpu.memory_space<hbm>>
    %dma_start3A_99 = tpu.memref_squeeze %dma_start3A_98 : memref<1x16x1024xf32, #tpu.memory_space<hbm>> -> memref<16x1024xf32, #tpu.memory_space<hbm>>
    tpu.enqueue_dma source(%arg8 : memref<16x1024xf32, #tpu.memory_space<vmem>>) target(%dma_start3A_99 : memref<16x1024xf32, #tpu.memory_space<hbm>>) target_semaphore(%arg14 : memref<!tpu.dma_semaphore, #tpu.memory_space<semaphore_mem>>)
    %dma_wait3A_100 = arith.constant 0 : i32
    %dma_wait3A_101 = arith.constant 0 : i32
    %dma_wait3A_102 = tpu.memref_slice %arg4[%dma_wait3A_100, %add3A_57, %dma_wait3A_101] : memref<4x2048x1024xf32, #tpu.memory_space<hbm>> -> memref<1x16x1024xf32, #tpu.memory_space<hbm>>
    %dma_wait3A_103 = tpu.memref_squeeze %dma_wait3A_102 : memref<1x16x1024xf32, #tpu.memory_space<hbm>> -> memref<16x1024xf32, #tpu.memory_space<hbm>>
    %dma_wait3A_104 = arith.constant 0 : i32
    %dma_wait3A_105 = tpu.memref_slice %arg4[%dma_wait3A_100, %add3A_57, %dma_wait3A_104] : memref<4x2048x1024xf32, #tpu.memory_space<hbm>> -> memref<1x16x1024xf32, #tpu.memory_space<hbm>>
    %dma_wait3A_106 = tpu.memref_squeeze %dma_wait3A_105 : memref<1x16x1024xf32, #tpu.memory_space<hbm>> -> memref<16x1024xf32, #tpu.memory_space<hbm>>
    tpu.wait_dma2 semaphore(%arg13 : memref<!tpu.dma_semaphore, #tpu.memory_space<semaphore_mem>>) src(%arg7 : memref<16x1024xf32, #tpu.memory_space<vmem>>) dst(%dma_wait3A_106 : memref<16x1024xf32, #tpu.memory_space<hbm>>)
    %add3A_107 = arith.constant 0 : i32
    %add3A_108 = arith.addi %mul3A_2, %add3A_107 : i32
    %dma_start3A_109 = arith.constant 1 : i32
    %dma_start3A_110 = arith.constant 0 : i32
    %dma_start3A_111 = tpu.memref_slice %arg2[%dma_start3A_109, %add3A_108, %dma_start3A_110] : memref<4x2048x1024xf32, #tpu.memory_space<hbm>> -> memref<1x16x1024xf32, #tpu.memory_space<hbm>>
    %dma_start3A_112 = tpu.memref_squeeze %dma_start3A_111 : memref<1x16x1024xf32, #tpu.memory_space<hbm>> -> memref<16x1024xf32, #tpu.memory_space<hbm>>
    %dma_start3A_113 = arith.constant 0 : i32
    %dma_start3A_114 = tpu.memref_slice %arg2[%dma_start3A_109, %add3A_108, %dma_start3A_113] : memref<4x2048x1024xf32, #tpu.memory_space<hbm>> -> memref<1x16x1024xf32, #tpu.memory_space<hbm>>
    %dma_start3A_115 = tpu.memref_squeeze %dma_start3A_114 : memref<1x16x1024xf32, #tpu.memory_space<hbm>> -> memref<16x1024xf32, #tpu.memory_space<hbm>>
    tpu.enqueue_dma source(%dma_start3A_115 : memref<16x1024xf32, #tpu.memory_space<hbm>>) target(%arg7 : memref<16x1024xf32, #tpu.memory_space<vmem>>) target_semaphore(%arg10 : memref<!tpu.dma_semaphore, #tpu.memory_space<semaphore_mem>>)
    %dma_wait3A_116 = arith.constant 0 : i32
    %dma_wait3A_117 = arith.constant 0 : i32
    %dma_wait3A_118 = tpu.memref_slice %arg2[%dma_wait3A_116, %add3A_73, %dma_wait3A_117] : memref<4x2048x1024xf32, #tpu.memory_space<hbm>> -> memref<1x16x1024xf32, #tpu.memory_space<hbm>>
    %dma_wait3A_119 = tpu.memref_squeeze %dma_wait3A_118 : memref<1x16x1024xf32, #tpu.memory_space<hbm>> -> memref<16x1024xf32, #tpu.memory_space<hbm>>
    %dma_wait3A_120 = arith.constant 0 : i32
    %dma_wait3A_121 = tpu.memref_slice %arg2[%dma_wait3A_116, %add3A_73, %dma_wait3A_120] : memref<4x2048x1024xf32, #tpu.memory_space<hbm>> -> memref<1x16x1024xf32, #tpu.memory_space<hbm>>
    %dma_wait3A_122 = tpu.memref_squeeze %dma_wait3A_121 : memref<1x16x1024xf32, #tpu.memory_space<hbm>> -> memref<16x1024xf32, #tpu.memory_space<hbm>>
    tpu.wait_dma2 semaphore(%arg9 : memref<!tpu.dma_semaphore, #tpu.memory_space<semaphore_mem>>) src(%dma_wait3A_122 : memref<16x1024xf32, #tpu.memory_space<hbm>>) dst(%arg6 : memref<16x1024xf32, #tpu.memory_space<vmem>>)
    %parallel_loop3A_123 = arith.constant 0 : i32
    %parallel_loop3A_124 = arith.constant 1024 : i32
    %parallel_loop3A_125 = arith.constant 1 : i32
    scf.for %parallel_loop3A_553 = %parallel_loop3A_123 to %parallel_loop3A_124 step %parallel_loop3A_125  : i32 {
      %parallel_loop3A_554 = arith.constant 6 : i32
      %parallel_loop3A_555 = arith.shrsi %parallel_loop3A_553, %parallel_loop3A_554 : i32
      %parallel_loop3A_556 = arith.constant 63 : i32
      %parallel_loop3A_557 = arith.andi %parallel_loop3A_553, %parallel_loop3A_556 : i32
      %parallel_loop3A_558 = arith.constant 4 : i32
      %parallel_loop3A_559 = arith.shli %parallel_loop3A_557, %parallel_loop3A_558 : i32
      %parallel_loop3A_560 = tpu.assume_multiple %parallel_loop3A_559, 16 : i32
      %parallel_loop3A_561 = arith.index_cast %parallel_loop3A_555 : i32 to index
      %parallel_loop3A_562 = arith.index_cast %parallel_loop3A_560 : i32 to index
      %parallel_loop3A_563 = tpu.vector_load %arg6[%parallel_loop3A_561, %parallel_loop3A_562] {strides = array<i32>} : memref<16x1024xf32, #tpu.memory_space<vmem>>, vector<1x16xf32>,
      %parallel_loop3A_564 = vector.shape_cast %parallel_loop3A_563 : vector<1x16xf32> to vector<16xf32>
      %parallel_loop3A_565 = arith.constant 48 : i32
      %parallel_loop3A_566 = arith.addi %parallel_loop3A_565, %parallel_loop3A_555 : i32
      %parallel_loop3A_567 = arith.index_cast %parallel_loop3A_566 : i32 to index
      %parallel_loop3A_568 = arith.index_cast %parallel_loop3A_560 : i32 to index
      %parallel_loop3A_569 = tpu.vector_load %arg5[%parallel_loop3A_567, %parallel_loop3A_568] {strides = array<i32>} : memref<64x1024xf32, #tpu.memory_space<vmem>>, vector<1x16xf32>,
      %parallel_loop3A_570 = vector.shape_cast %parallel_loop3A_569 : vector<1x16xf32> to vector<16xf32>
      %parallel_loop3A_571 = arith.addf %parallel_loop3A_564, %parallel_loop3A_570 : vector<16xf32>
      %parallel_loop3A_572 = arith.index_cast %parallel_loop3A_555 : i32 to index
      %parallel_loop3A_573 = arith.index_cast %parallel_loop3A_560 : i32 to index
      %parallel_loop3A_574 = tpu.vector_load %arg6[%parallel_loop3A_572, %parallel_loop3A_573] {strides = array<i32>} : memref<16x1024xf32, #tpu.memory_space<vmem>>, vector<1x16xf32>,
      %parallel_loop3A_575 = vector.shape_cast %parallel_loop3A_574 : vector<1x16xf32> to vector<16xf32>
      %parallel_loop3A_576 = vector.shape_cast %parallel_loop3A_571 : vector<16xf32> to vector<1x16xf32>
      tpu.vector_store %arg6[%parallel_loop3A_572, %parallel_loop3A_573], %parallel_loop3A_576 {strides = array<i32>} : memref<16x1024xf32, #tpu.memory_space<vmem>>, vector<1x16xf32>,
    } {sc.loop_unroll_factor = 8 : i64, sc.parallel_access}
    %add3A_126 = arith.constant 48 : i32
    %add3A_127 = arith.addi %mul3A_2, %add3A_126 : i32
    %dma_start3A_128 = arith.constant 0 : i32
    %dma_start3A_129 = arith.constant 0 : i32
    %dma_start3A_130 = tpu.memref_slice %arg4[%dma_start3A_128, %add3A_127, %dma_start3A_129] : memref<4x2048x1024xf32, #tpu.memory_space<hbm>> -> memref<1x16x1024xf32, #tpu.memory_space<hbm>>
    %dma_start3A_131 = tpu.memref_squeeze %dma_start3A_130 : memref<1x16x1024xf32, #tpu.memory_space<hbm>> -> memref<16x1024xf32, #tpu.memory_space<hbm>>
    %dma_start3A_132 = arith.constant 0 : i32
    %dma_start3A_133 = tpu.memref_slice %arg4[%dma_start3A_128, %add3A_127, %dma_start3A_132] : memref<4x2048x1024xf32, #tpu.memory_space<hbm>> -> memref<1x16x1024xf32, #tpu.memory_space<hbm>>
    %dma_start3A_134 = tpu.memref_squeeze %dma_start3A_133 : memref<1x16x1024xf32, #tpu.memory_space<hbm>> -> memref<16x1024xf32, #tpu.memory_space<hbm>>
    tpu.enqueue_dma source(%arg6 : memref<16x1024xf32, #tpu.memory_space<vmem>>) target(%dma_start3A_134 : memref<16x1024xf32, #tpu.memory_space<hbm>>) target_semaphore(%arg12 : memref<!tpu.dma_semaphore, #tpu.memory_space<semaphore_mem>>)
    %dma_wait3A_135 = arith.constant 0 : i32
    %dma_wait3A_136 = arith.constant 0 : i32
    %dma_wait3A_137 = tpu.memref_slice %arg4[%dma_wait3A_135, %add3A_92, %dma_wait3A_136] : memref<4x2048x1024xf32, #tpu.memory_space<hbm>> -> memref<1x16x1024xf32, #tpu.memory_space<hbm>>
    %dma_wait3A_138 = tpu.memref_squeeze %dma_wait3A_137 : memref<1x16x1024xf32, #tpu.memory_space<hbm>> -> memref<16x1024xf32, #tpu.memory_space<hbm>>
    %dma_wait3A_139 = arith.constant 0 : i32
    %dma_wait3A_140 = tpu.memref_slice %arg4[%dma_wait3A_135, %add3A_92, %dma_wait3A_139] : memref<4x2048x1024xf32, #tpu.memory_space<hbm>> -> memref<1x16x1024xf32, #tpu.memory_space<hbm>>
    %dma_wait3A_141 = tpu.memref_squeeze %dma_wait3A_140 : memref<1x16x1024xf32, #tpu.memory_space<hbm>> -> memref<16x1024xf32, #tpu.memory_space<hbm>>
    tpu.wait_dma2 semaphore(%arg14 : memref<!tpu.dma_semaphore, #tpu.memory_space<semaphore_mem>>) src(%arg8 : memref<16x1024xf32, #tpu.memory_space<vmem>>) dst(%dma_wait3A_141 : memref<16x1024xf32, #tpu.memory_space<hbm>>)
    %add3A_142 = arith.constant 16 : i32
    %add3A_143 = arith.addi %mul3A_2, %add3A_142 : i32
    %dma_start3A_144 = arith.constant 1 : i32
    %dma_start3A_145 = arith.constant 0 : i32
    %dma_start3A_146 = tpu.memref_slice %arg2[%dma_start3A_144, %add3A_143, %dma_start3A_145] : memref<4x2048x1024xf32, #tpu.memory_space<hbm>> -> memref<1x16x1024xf32, #tpu.memory_space<hbm>>
    %dma_start3A_147 = tpu.memref_squeeze %dma_start3A_146 : memref<1x16x1024xf32, #tpu.memory_space<hbm>> -> memref<16x1024xf32, #tpu.memory_space<hbm>>
    %dma_start3A_148 = arith.constant 0 : i32
    %dma_start3A_149 = tpu.memref_slice %arg2[%dma_start3A_144, %add3A_143, %dma_start3A_148] : memref<4x2048x1024xf32, #tpu.memory_space<hbm>> -> memref<1x16x1024xf32, #tpu.memory_space<hbm>>
    %dma_start3A_150 = tpu.memref_squeeze %dma_start3A_149 : memref<1x16x1024xf32, #tpu.memory_space<hbm>> -> memref<16x1024xf32, #tpu.memory_space<hbm>>
    tpu.enqueue_dma source(%dma_start3A_150 : memref<16x1024xf32, #tpu.memory_space<hbm>>) target(%arg8 : memref<16x1024xf32, #tpu.memory_space<vmem>>) target_semaphore(%arg11 : memref<!tpu.dma_semaphore, #tpu.memory_space<semaphore_mem>>)
    %dma_wait3A_151 = arith.constant 1 : i32
    %dma_wait3A_152 = arith.constant 0 : i32
    %dma_wait3A_153 = tpu.memref_slice %arg2[%dma_wait3A_151, %add3A_108, %dma_wait3A_152] : memref<4x2048x1024xf32, #tpu.memory_space<hbm>> -> memref<1x16x1024xf32, #tpu.memory_space<hbm>>
    %dma_wait3A_154 = tpu.memref_squeeze %dma_wait3A_153 : memref<1x16x1024xf32, #tpu.memory_space<hbm>> -> memref<16x1024xf32, #tpu.memory_space<hbm>>
    %dma_wait3A_155 = arith.constant 0 : i32
    %dma_wait3A_156 = tpu.memref_slice %arg2[%dma_wait3A_151, %add3A_108, %dma_wait3A_155] : memref<4x2048x1024xf32, #tpu.memory_space<hbm>> -> memref<1x16x1024xf32, #tpu.memory_space<hbm>>
    %dma_wait3A_157 = tpu.memref_squeeze %dma_wait3A_156 : memref<1x16x1024xf32, #tpu.memory_space<hbm>> -> memref<16x1024xf32, #tpu.memory_space<hbm>>
    tpu.wait_dma2 semaphore(%arg10 : memref<!tpu.dma_semaphore, #tpu.memory_space<semaphore_mem>>) src(%dma_wait3A_157 : memref<16x1024xf32, #tpu.memory_space<hbm>>) dst(%arg7 : memref<16x1024xf32, #tpu.memory_space<vmem>>)
    %parallel_loop3A_158 = arith.constant 0 : i32
    %parallel_loop3A_159 = arith.constant 1024 : i32
    %parallel_loop3A_160 = arith.constant 1 : i32
    scf.for %parallel_loop3A_553 = %parallel_loop3A_158 to %parallel_loop3A_159 step %parallel_loop3A_160  : i32 {
      %parallel_loop3A_554 = arith.constant 6 : i32
      %parallel_loop3A_555 = arith.shrsi %parallel_loop3A_553, %parallel_loop3A_554 : i32
      %parallel_loop3A_556 = arith.constant 63 : i32
      %parallel_loop3A_557 = arith.andi %parallel_loop3A_553, %parallel_loop3A_556 : i32
      %parallel_loop3A_558 = arith.constant 4 : i32
      %parallel_loop3A_559 = arith.shli %parallel_loop3A_557, %parallel_loop3A_558 : i32
      %parallel_loop3A_560 = tpu.assume_multiple %parallel_loop3A_559, 16 : i32
      %parallel_loop3A_561 = arith.index_cast %parallel_loop3A_555 : i32 to index
      %parallel_loop3A_562 = arith.index_cast %parallel_loop3A_560 : i32 to index
      %parallel_loop3A_563 = tpu.vector_load %arg7[%parallel_loop3A_561, %parallel_loop3A_562] {strides = array<i32>} : memref<16x1024xf32, #tpu.memory_space<vmem>>, vector<1x16xf32>,
      %parallel_loop3A_564 = vector.shape_cast %parallel_loop3A_563 : vector<1x16xf32> to vector<16xf32>
      %parallel_loop3A_565 = arith.constant 0 : i32
      %parallel_loop3A_566 = arith.addi %parallel_loop3A_565, %parallel_loop3A_555 : i32
      %parallel_loop3A_567 = arith.index_cast %parallel_loop3A_566 : i32 to index
      %parallel_loop3A_568 = arith.index_cast %parallel_loop3A_560 : i32 to index
      %parallel_loop3A_569 = tpu.vector_load %arg5[%parallel_loop3A_567, %parallel_loop3A_568] {strides = array<i32>} : memref<64x1024xf32, #tpu.memory_space<vmem>>, vector<1x16xf32>,
      %parallel_loop3A_570 = vector.shape_cast %parallel_loop3A_569 : vector<1x16xf32> to vector<16xf32>
      %parallel_loop3A_571 = arith.addf %parallel_loop3A_564, %parallel_loop3A_570 : vector<16xf32>
      %parallel_loop3A_572 = arith.index_cast %parallel_loop3A_555 : i32 to index
      %parallel_loop3A_573 = arith.index_cast %parallel_loop3A_560 : i32 to index
      %parallel_loop3A_574 = tpu.vector_load %arg7[%parallel_loop3A_572, %parallel_loop3A_573] {strides = array<i32>} : memref<16x1024xf32, #tpu.memory_space<vmem>>, vector<1x16xf32>,
      %parallel_loop3A_575 = vector.shape_cast %parallel_loop3A_574 : vector<1x16xf32> to vector<16xf32>
      %parallel_loop3A_576 = vector.shape_cast %parallel_loop3A_571 : vector<16xf32> to vector<1x16xf32>
      tpu.vector_store %arg7[%parallel_loop3A_572, %parallel_loop3A_573], %parallel_loop3A_576 {strides = array<i32>} : memref<16x1024xf32, #tpu.memory_space<vmem>>, vector<1x16xf32>,
    } {sc.loop_unroll_factor = 8 : i64, sc.parallel_access}
    %add3A_161 = arith.constant 0 : i32
    %add3A_162 = arith.addi %mul3A_2, %add3A_161 : i32
    %dma_start3A_163 = arith.constant 1 : i32
    %dma_start3A_164 = arith.constant 0 : i32
    %dma_start3A_165 = tpu.memref_slice %arg4[%dma_start3A_163, %add3A_162, %dma_start3A_164] : memref<4x2048x1024xf32, #tpu.memory_space<hbm>> -> memref<1x16x1024xf32, #tpu.memory_space<hbm>>
    %dma_start3A_166 = tpu.memref_squeeze %dma_start3A_165 : memref<1x16x1024xf32, #tpu.memory_space<hbm>> -> memref<16x1024xf32, #tpu.memory_space<hbm>>
    %dma_start3A_167 = arith.constant 0 : i32
    %dma_start3A_168 = tpu.memref_slice %arg4[%dma_start3A_163, %add3A_162, %dma_start3A_167] : memref<4x2048x1024xf32, #tpu.memory_space<hbm>> -> memref<1x16x1024xf32, #tpu.memory_space<hbm>>
    %dma_start3A_169 = tpu.memref_squeeze %dma_start3A_168 : memref<1x16x1024xf32, #tpu.memory_space<hbm>> -> memref<16x1024xf32, #tpu.memory_space<hbm>>
    tpu.enqueue_dma source(%arg7 : memref<16x1024xf32, #tpu.memory_space<vmem>>) target(%dma_start3A_169 : memref<16x1024xf32, #tpu.memory_space<hbm>>) target_semaphore(%arg13 : memref<!tpu.dma_semaphore, #tpu.memory_space<semaphore_mem>>)
    %dma_wait3A_170 = arith.constant 0 : i32
    %dma_wait3A_171 = arith.constant 0 : i32
    %dma_wait3A_172 = tpu.memref_slice %arg4[%dma_wait3A_170, %add3A_127, %dma_wait3A_171] : memref<4x2048x1024xf32, #tpu.memory_space<hbm>> -> memref<1x16x1024xf32, #tpu.memory_space<hbm>>
    %dma_wait3A_173 = tpu.memref_squeeze %dma_wait3A_172 : memref<1x16x1024xf32, #tpu.memory_space<hbm>> -> memref<16x1024xf32, #tpu.memory_space<hbm>>
    %dma_wait3A_174 = arith.constant 0 : i32
    %dma_wait3A_175 = tpu.memref_slice %arg4[%dma_wait3A_170, %add3A_127, %dma_wait3A_174] : memref<4x2048x1024xf32, #tpu.memory_space<hbm>> -> memref<1x16x1024xf32, #tpu.memory_space<hbm>>
    %dma_wait3A_176 = tpu.memref_squeeze %dma_wait3A_175 : memref<1x16x1024xf32, #tpu.memory_space<hbm>> -> memref<16x1024xf32, #tpu.memory_space<hbm>>
    tpu.wait_dma2 semaphore(%arg12 : memref<!tpu.dma_semaphore, #tpu.memory_space<semaphore_mem>>) src(%arg6 : memref<16x1024xf32, #tpu.memory_space<vmem>>) dst(%dma_wait3A_176 : memref<16x1024xf32, #tpu.memory_space<hbm>>)
    %add3A_177 = arith.constant 32 : i32
    %add3A_178 = arith.addi %mul3A_2, %add3A_177 : i32
    %dma_start3A_179 = arith.constant 1 : i32
    %dma_start3A_180 = arith.constant 0 : i32
    %dma_start3A_181 = tpu.memref_slice %arg2[%dma_start3A_179, %add3A_178, %dma_start3A_180] : memref<4x2048x1024xf32, #tpu.memory_space<hbm>> -> memref<1x16x1024xf32, #tpu.memory_space<hbm>>
    %dma_start3A_182 = tpu.memref_squeeze %dma_start3A_181 : memref<1x16x1024xf32, #tpu.memory_space<hbm>> -> memref<16x1024xf32, #tpu.memory_space<hbm>>
    %dma_start3A_183 = arith.constant 0 : i32
    %dma_start3A_184 = tpu.memref_slice %arg2[%dma_start3A_179, %add3A_178, %dma_start3A_183] : memref<4x2048x1024xf32, #tpu.memory_space<hbm>> -> memref<1x16x1024xf32, #tpu.memory_space<hbm>>
    %dma_start3A_185 = tpu.memref_squeeze %dma_start3A_184 : memref<1x16x1024xf32, #tpu.memory_space<hbm>> -> memref<16x1024xf32, #tpu.memory_space<hbm>>
    tpu.enqueue_dma source(%dma_start3A_185 : memref<16x1024xf32, #tpu.memory_space<hbm>>) target(%arg6 : memref<16x1024xf32, #tpu.memory_space<vmem>>) target_semaphore(%arg9 : memref<!tpu.dma_semaphore, #tpu.memory_space<semaphore_mem>>)
    %dma_wait3A_186 = arith.constant 1 : i32
    %dma_wait3A_187 = arith.constant 0 : i32
    %dma_wait3A_188 = tpu.memref_slice %arg2[%dma_wait3A_186, %add3A_143, %dma_wait3A_187] : memref<4x2048x1024xf32, #tpu.memory_space<hbm>> -> memref<1x16x1024xf32, #tpu.memory_space<hbm>>
    %dma_wait3A_189 = tpu.memref_squeeze %dma_wait3A_188 : memref<1x16x1024xf32, #tpu.memory_space<hbm>> -> memref<16x1024xf32, #tpu.memory_space<hbm>>
    %dma_wait3A_190 = arith.constant 0 : i32
    %dma_wait3A_191 = tpu.memref_slice %arg2[%dma_wait3A_186, %add3A_143, %dma_wait3A_190] : memref<4x2048x1024xf32, #tpu.memory_space<hbm>> -> memref<1x16x1024xf32, #tpu.memory_space<hbm>>
    %dma_wait3A_192 = tpu.memref_squeeze %dma_wait3A_191 : memref<1x16x1024xf32, #tpu.memory_space<hbm>> -> memref<16x1024xf32, #tpu.memory_space<hbm>>
    tpu.wait_dma2 semaphore(%arg11 : memref<!tpu.dma_semaphore, #tpu.memory_space<semaphore_mem>>) src(%dma_wait3A_192 : memref<16x1024xf32, #tpu.memory_space<hbm>>) dst(%arg8 : memref<16x1024xf32, #tpu.memory_space<vmem>>)
    %parallel_loop3A_193 = arith.constant 0 : i32
    %parallel_loop3A_194 = arith.constant 1024 : i32
    %parallel_loop3A_195 = arith.constant 1 : i32
    scf.for %parallel_loop3A_553 = %parallel_loop3A_193 to %parallel_loop3A_194 step %parallel_loop3A_195  : i32 {
      %parallel_loop3A_554 = arith.constant 6 : i32
      %parallel_loop3A_555 = arith.shrsi %parallel_loop3A_553, %parallel_loop3A_554 : i32
      %parallel_loop3A_556 = arith.constant 63 : i32
      %parallel_loop3A_557 = arith.andi %parallel_loop3A_553, %parallel_loop3A_556 : i32
      %parallel_loop3A_558 = arith.constant 4 : i32
      %parallel_loop3A_559 = arith.shli %parallel_loop3A_557, %parallel_loop3A_558 : i32
      %parallel_loop3A_560 = tpu.assume_multiple %parallel_loop3A_559, 16 : i32
      %parallel_loop3A_561 = arith.index_cast %parallel_loop3A_555 : i32 to index
      %parallel_loop3A_562 = arith.index_cast %parallel_loop3A_560 : i32 to index
      %parallel_loop3A_563 = tpu.vector_load %arg8[%parallel_loop3A_561, %parallel_loop3A_562] {strides = array<i32>} : memref<16x1024xf32, #tpu.memory_space<vmem>>, vector<1x16xf32>,
      %parallel_loop3A_564 = vector.shape_cast %parallel_loop3A_563 : vector<1x16xf32> to vector<16xf32>
      %parallel_loop3A_565 = arith.constant 16 : i32
      %parallel_loop3A_566 = arith.addi %parallel_loop3A_565, %parallel_loop3A_555 : i32
      %parallel_loop3A_567 = arith.index_cast %parallel_loop3A_566 : i32 to index
      %parallel_loop3A_568 = arith.index_cast %parallel_loop3A_560 : i32 to index
      %parallel_loop3A_569 = tpu.vector_load %arg5[%parallel_loop3A_567, %parallel_loop3A_568] {strides = array<i32>} : memref<64x1024xf32, #tpu.memory_space<vmem>>, vector<1x16xf32>,
      %parallel_loop3A_570 = vector.shape_cast %parallel_loop3A_569 : vector<1x16xf32> to vector<16xf32>
      %parallel_loop3A_571 = arith.addf %parallel_loop3A_564, %parallel_loop3A_570 : vector<16xf32>
      %parallel_loop3A_572 = arith.index_cast %parallel_loop3A_555 : i32 to index
      %parallel_loop3A_573 = arith.index_cast %parallel_loop3A_560 : i32 to index
      %parallel_loop3A_574 = tpu.vector_load %arg8[%parallel_loop3A_572, %parallel_loop3A_573] {strides = array<i32>} : memref<16x1024xf32, #tpu.memory_space<vmem>>, vector<1x16xf32>,
      %parallel_loop3A_575 = vector.shape_cast %parallel_loop3A_574 : vector<1x16xf32> to vector<16xf32>
      %parallel_loop3A_576 = vector.shape_cast %parallel_loop3A_571 : vector<16xf32> to vector<1x16xf32>
      tpu.vector_store %arg8[%parallel_loop3A_572, %parallel_loop3A_573], %parallel_loop3A_576 {strides = array<i32>} : memref<16x1024xf32, #tpu.memory_space<vmem>>, vector<1x16xf32>,
    } {sc.loop_unroll_factor = 8 : i64, sc.parallel_access}
    %add3A_196 = arith.constant 16 : i32
    %add3A_197 = arith.addi %mul3A_2, %add3A_196 : i32
    %dma_start3A_198 = arith.constant 1 : i32
    %dma_start3A_199 = arith.constant 0 : i32
    %dma_start3A_200 = tpu.memref_slice %arg4[%dma_start3A_198, %add3A_197, %dma_start3A_199] : memref<4x2048x1024xf32, #tpu.memory_space<hbm>> -> memref<1x16x1024xf32, #tpu.memory_space<hbm>>
    %dma_start3A_201 = tpu.memref_squeeze %dma_start3A_200 : memref<1x16x1024xf32, #tpu.memory_space<hbm>> -> memref<16x1024xf32, #tpu.memory_space<hbm>>
    %dma_start3A_202 = arith.constant 0 : i32
    %dma_start3A_203 = tpu.memref_slice %arg4[%dma_start3A_198, %add3A_197, %dma_start3A_202] : memref<4x2048x1024xf32, #tpu.memory_space<hbm>> -> memref<1x16x1024xf32, #tpu.memory_space<hbm>>
    %dma_start3A_204 = tpu.memref_squeeze %dma_start3A_203 : memref<1x16x1024xf32, #tpu.memory_space<hbm>> -> memref<16x1024xf32, #tpu.memory_space<hbm>>
    tpu.enqueue_dma source(%arg8 : memref<16x1024xf32, #tpu.memory_space<vmem>>) target(%dma_start3A_204 : memref<16x1024xf32, #tpu.memory_space<hbm>>) target_semaphore(%arg14 : memref<!tpu.dma_semaphore, #tpu.memory_space<semaphore_mem>>)
    %dma_wait3A_205 = arith.constant 1 : i32
    %dma_wait3A_206 = arith.constant 0 : i32
    %dma_wait3A_207 = tpu.memref_slice %arg4[%dma_wait3A_205, %add3A_162, %dma_wait3A_206] : memref<4x2048x1024xf32, #tpu.memory_space<hbm>> -> memref<1x16x1024xf32, #tpu.memory_space<hbm>>
    %dma_wait3A_208 = tpu.memref_squeeze %dma_wait3A_207 : memref<1x16x1024xf32, #tpu.memory_space<hbm>> -> memref<16x1024xf32, #tpu.memory_space<hbm>>
    %dma_wait3A_209 = arith.constant 0 : i32
    %dma_wait3A_210 = tpu.memref_slice %arg4[%dma_wait3A_205, %add3A_162, %dma_wait3A_209] : memref<4x2048x1024xf32, #tpu.memory_space<hbm>> -> memref<1x16x1024xf32, #tpu.memory_space<hbm>>
    %dma_wait3A_211 = tpu.memref_squeeze %dma_wait3A_210 : memref<1x16x1024xf32, #tpu.memory_space<hbm>> -> memref<16x1024xf32, #tpu.memory_space<hbm>>
    tpu.wait_dma2 semaphore(%arg13 : memref<!tpu.dma_semaphore, #tpu.memory_space<semaphore_mem>>) src(%arg7 : memref<16x1024xf32, #tpu.memory_space<vmem>>) dst(%dma_wait3A_211 : memref<16x1024xf32, #tpu.memory_space<hbm>>)
    %add3A_212 = arith.constant 48 : i32
    %add3A_213 = arith.addi %mul3A_2, %add3A_212 : i32
    %dma_start3A_214 = arith.constant 1 : i32
    %dma_start3A_215 = arith.constant 0 : i32
    %dma_start3A_216 = tpu.memref_slice %arg2[%dma_start3A_214, %add3A_213, %dma_start3A_215] : memref<4x2048x1024xf32, #tpu.memory_space<hbm>> -> memref<1x16x1024xf32, #tpu.memory_space<hbm>>
    %dma_start3A_217 = tpu.memref_squeeze %dma_start3A_216 : memref<1x16x1024xf32, #tpu.memory_space<hbm>> -> memref<16x1024xf32, #tpu.memory_space<hbm>>
    %dma_start3A_218 = arith.constant 0 : i32
    %dma_start3A_219 = tpu.memref_slice %arg2[%dma_start3A_214, %add3A_213, %dma_start3A_218] : memref<4x2048x1024xf32, #tpu.memory_space<hbm>> -> memref<1x16x1024xf32, #tpu.memory_space<hbm>>
    %dma_start3A_220 = tpu.memref_squeeze %dma_start3A_219 : memref<1x16x1024xf32, #tpu.memory_space<hbm>> -> memref<16x1024xf32, #tpu.memory_space<hbm>>
    tpu.enqueue_dma source(%dma_start3A_220 : memref<16x1024xf32, #tpu.memory_space<hbm>>) target(%arg7 : memref<16x1024xf32, #tpu.memory_space<vmem>>) target_semaphore(%arg10 : memref<!tpu.dma_semaphore, #tpu.memory_space<semaphore_mem>>)
    %dma_wait3A_221 = arith.constant 1 : i32
    %dma_wait3A_222 = arith.constant 0 : i32
    %dma_wait3A_223 = tpu.memref_slice %arg2[%dma_wait3A_221, %add3A_178, %dma_wait3A_222] : memref<4x2048x1024xf32, #tpu.memory_space<hbm>> -> memref<1x16x1024xf32, #tpu.memory_space<hbm>>
    %dma_wait3A_224 = tpu.memref_squeeze %dma_wait3A_223 : memref<1x16x1024xf32, #tpu.memory_space<hbm>> -> memref<16x1024xf32, #tpu.memory_space<hbm>>
    %dma_wait3A_225 = arith.constant 0 : i32
    %dma_wait3A_226 = tpu.memref_slice %arg2[%dma_wait3A_221, %add3A_178, %dma_wait3A_225] : memref<4x2048x1024xf32, #tpu.memory_space<hbm>> -> memref<1x16x1024xf32, #tpu.memory_space<hbm>>
    %dma_wait3A_227 = tpu.memref_squeeze %dma_wait3A_226 : memref<1x16x1024xf32, #tpu.memory_space<hbm>> -> memref<16x1024xf32, #tpu.memory_space<hbm>>
    tpu.wait_dma2 semaphore(%arg9 : memref<!tpu.dma_semaphore, #tpu.memory_space<semaphore_mem>>) src(%dma_wait3A_227 : memref<16x1024xf32, #tpu.memory_space<hbm>>) dst(%arg6 : memref<16x1024xf32, #tpu.memory_space<vmem>>)
    %parallel_loop3A_228 = arith.constant 0 : i32
    %parallel_loop3A_229 = arith.constant 1024 : i32
    %parallel_loop3A_230 = arith.constant 1 : i32
    scf.for %parallel_loop3A_553 = %parallel_loop3A_228 to %parallel_loop3A_229 step %parallel_loop3A_230  : i32 {
      %parallel_loop3A_554 = arith.constant 6 : i32
      %parallel_loop3A_555 = arith.shrsi %parallel_loop3A_553, %parallel_loop3A_554 : i32
      %parallel_loop3A_556 = arith.constant 63 : i32
      %parallel_loop3A_557 = arith.andi %parallel_loop3A_553, %parallel_loop3A_556 : i32
      %parallel_loop3A_558 = arith.constant 4 : i32
      %parallel_loop3A_559 = arith.shli %parallel_loop3A_557, %parallel_loop3A_558 : i32
      %parallel_loop3A_560 = tpu.assume_multiple %parallel_loop3A_559, 16 : i32
      %parallel_loop3A_561 = arith.index_cast %parallel_loop3A_555 : i32 to index
      %parallel_loop3A_562 = arith.index_cast %parallel_loop3A_560 : i32 to index
      %parallel_loop3A_563 = tpu.vector_load %arg6[%parallel_loop3A_561, %parallel_loop3A_562] {strides = array<i32>} : memref<16x1024xf32, #tpu.memory_space<vmem>>, vector<1x16xf32>,
      %parallel_loop3A_564 = vector.shape_cast %parallel_loop3A_563 : vector<1x16xf32> to vector<16xf32>
      %parallel_loop3A_565 = arith.constant 32 : i32
      %parallel_loop3A_566 = arith.addi %parallel_loop3A_565, %parallel_loop3A_555 : i32
      %parallel_loop3A_567 = arith.index_cast %parallel_loop3A_566 : i32 to index
      %parallel_loop3A_568 = arith.index_cast %parallel_loop3A_560 : i32 to index
      %parallel_loop3A_569 = tpu.vector_load %arg5[%parallel_loop3A_567, %parallel_loop3A_568] {strides = array<i32>} : memref<64x1024xf32, #tpu.memory_space<vmem>>, vector<1x16xf32>,
      %parallel_loop3A_570 = vector.shape_cast %parallel_loop3A_569 : vector<1x16xf32> to vector<16xf32>
      %parallel_loop3A_571 = arith.addf %parallel_loop3A_564, %parallel_loop3A_570 : vector<16xf32>
      %parallel_loop3A_572 = arith.index_cast %parallel_loop3A_555 : i32 to index
      %parallel_loop3A_573 = arith.index_cast %parallel_loop3A_560 : i32 to index
      %parallel_loop3A_574 = tpu.vector_load %arg6[%parallel_loop3A_572, %parallel_loop3A_573] {strides = array<i32>} : memref<16x1024xf32, #tpu.memory_space<vmem>>, vector<1x16xf32>,
      %parallel_loop3A_575 = vector.shape_cast %parallel_loop3A_574 : vector<1x16xf32> to vector<16xf32>
      %parallel_loop3A_576 = vector.shape_cast %parallel_loop3A_571 : vector<16xf32> to vector<1x16xf32>
      tpu.vector_store %arg6[%parallel_loop3A_572, %parallel_loop3A_573], %parallel_loop3A_576 {strides = array<i32>} : memref<16x1024xf32, #tpu.memory_space<vmem>>, vector<1x16xf32>,
    } {sc.loop_unroll_factor = 8 : i64, sc.parallel_access}
    %add3A_231 = arith.constant 32 : i32
    %add3A_232 = arith.addi %mul3A_2, %add3A_231 : i32
    %dma_start3A_233 = arith.constant 1 : i32
    %dma_start3A_234 = arith.constant 0 : i32
    %dma_start3A_235 = tpu.memref_slice %arg4[%dma_start3A_233, %add3A_232, %dma_start3A_234] : memref<4x2048x1024xf32, #tpu.memory_space<hbm>> -> memref<1x16x1024xf32, #tpu.memory_space<hbm>>
    %dma_start3A_236 = tpu.memref_squeeze %dma_start3A_235 : memref<1x16x1024xf32, #tpu.memory_space<hbm>> -> memref<16x1024xf32, #tpu.memory_space<hbm>>
    %dma_start3A_237 = arith.constant 0 : i32
    %dma_start3A_238 = tpu.memref_slice %arg4[%dma_start3A_233, %add3A_232, %dma_start3A_237] : memref<4x2048x1024xf32, #tpu.memory_space<hbm>> -> memref<1x16x1024xf32, #tpu.memory_space<hbm>>
    %dma_start3A_239 = tpu.memref_squeeze %dma_start3A_238 : memref<1x16x1024xf32, #tpu.memory_space<hbm>> -> memref<16x1024xf32, #tpu.memory_space<hbm>>
    tpu.enqueue_dma source(%arg6 : memref<16x1024xf32, #tpu.memory_space<vmem>>) target(%dma_start3A_239 : memref<16x1024xf32, #tpu.memory_space<hbm>>) target_semaphore(%arg12 : memref<!tpu.dma_semaphore, #tpu.memory_space<semaphore_mem>>)
    %dma_wait3A_240 = arith.constant 1 : i32
    %dma_wait3A_241 = arith.constant 0 : i32
    %dma_wait3A_242 = tpu.memref_slice %arg4[%dma_wait3A_240, %add3A_197, %dma_wait3A_241] : memref<4x2048x1024xf32, #tpu.memory_space<hbm>> -> memref<1x16x1024xf32, #tpu.memory_space<hbm>>
    %dma_wait3A_243 = tpu.memref_squeeze %dma_wait3A_242 : memref<1x16x1024xf32, #tpu.memory_space<hbm>> -> memref<16x1024xf32, #tpu.memory_space<hbm>>
    %dma_wait3A_244 = arith.constant 0 : i32
    %dma_wait3A_245 = tpu.memref_slice %arg4[%dma_wait3A_240, %add3A_197, %dma_wait3A_244] : memref<4x2048x1024xf32, #tpu.memory_space<hbm>> -> memref<1x16x1024xf32, #tpu.memory_space<hbm>>
    %dma_wait3A_246 = tpu.memref_squeeze %dma_wait3A_245 : memref<1x16x1024xf32, #tpu.memory_space<hbm>> -> memref<16x1024xf32, #tpu.memory_space<hbm>>
    tpu.wait_dma2 semaphore(%arg14 : memref<!tpu.dma_semaphore, #tpu.memory_space<semaphore_mem>>) src(%arg8 : memref<16x1024xf32, #tpu.memory_space<vmem>>) dst(%dma_wait3A_246 : memref<16x1024xf32, #tpu.memory_space<hbm>>)
    %add3A_247 = arith.constant 0 : i32
    %add3A_248 = arith.addi %mul3A_2, %add3A_247 : i32
    %dma_start3A_249 = arith.constant 2 : i32
    %dma_start3A_250 = arith.constant 0 : i32
    %dma_start3A_251 = tpu.memref_slice %arg2[%dma_start3A_249, %add3A_248, %dma_start3A_250] : memref<4x2048x1024xf32, #tpu.memory_space<hbm>> -> memref<1x16x1024xf32, #tpu.memory_space<hbm>>
    %dma_start3A_252 = tpu.memref_squeeze %dma_start3A_251 : memref<1x16x1024xf32, #tpu.memory_space<hbm>> -> memref<16x1024xf32, #tpu.memory_space<hbm>>
    %dma_start3A_253 = arith.constant 0 : i32
    %dma_start3A_254 = tpu.memref_slice %arg2[%dma_start3A_249, %add3A_248, %dma_start3A_253] : memref<4x2048x1024xf32, #tpu.memory_space<hbm>> -> memref<1x16x1024xf32, #tpu.memory_space<hbm>>
    %dma_start3A_255 = tpu.memref_squeeze %dma_start3A_254 : memref<1x16x1024xf32, #tpu.memory_space<hbm>> -> memref<16x1024xf32, #tpu.memory_space<hbm>>
    tpu.enqueue_dma source(%dma_start3A_255 : memref<16x1024xf32, #tpu.memory_space<hbm>>) target(%arg8 : memref<16x1024xf32, #tpu.memory_space<vmem>>) target_semaphore(%arg11 : memref<!tpu.dma_semaphore, #tpu.memory_space<semaphore_mem>>)
    %dma_wait3A_256 = arith.constant 1 : i32
    %dma_wait3A_257 = arith.constant 0 : i32
    %dma_wait3A_258 = tpu.memref_slice %arg2[%dma_wait3A_256, %add3A_213, %dma_wait3A_257] : memref<4x2048x1024xf32, #tpu.memory_space<hbm>> -> memref<1x16x1024xf32, #tpu.memory_space<hbm>>
    %dma_wait3A_259 = tpu.memref_squeeze %dma_wait3A_258 : memref<1x16x1024xf32, #tpu.memory_space<hbm>> -> memref<16x1024xf32, #tpu.memory_space<hbm>>
    %dma_wait3A_260 = arith.constant 0 : i32
    %dma_wait3A_261 = tpu.memref_slice %arg2[%dma_wait3A_256, %add3A_213, %dma_wait3A_260] : memref<4x2048x1024xf32, #tpu.memory_space<hbm>> -> memref<1x16x1024xf32, #tpu.memory_space<hbm>>
    %dma_wait3A_262 = tpu.memref_squeeze %dma_wait3A_261 : memref<1x16x1024xf32, #tpu.memory_space<hbm>> -> memref<16x1024xf32, #tpu.memory_space<hbm>>
    tpu.wait_dma2 semaphore(%arg10 : memref<!tpu.dma_semaphore, #tpu.memory_space<semaphore_mem>>) src(%dma_wait3A_262 : memref<16x1024xf32, #tpu.memory_space<hbm>>) dst(%arg7 : memref<16x1024xf32, #tpu.memory_space<vmem>>)
    %parallel_loop3A_263 = arith.constant 0 : i32
    %parallel_loop3A_264 = arith.constant 1024 : i32
    %parallel_loop3A_265 = arith.constant 1 : i32
    scf.for %parallel_loop3A_553 = %parallel_loop3A_263 to %parallel_loop3A_264 step %parallel_loop3A_265  : i32 {
      %parallel_loop3A_554 = arith.constant 6 : i32
      %parallel_loop3A_555 = arith.shrsi %parallel_loop3A_553, %parallel_loop3A_554 : i32
      %parallel_loop3A_556 = arith.constant 63 : i32
      %parallel_loop3A_557 = arith.andi %parallel_loop3A_553, %parallel_loop3A_556 : i32
      %parallel_loop3A_558 = arith.constant 4 : i32
      %parallel_loop3A_559 = arith.shli %parallel_loop3A_557, %parallel_loop3A_558 : i32
      %parallel_loop3A_560 = tpu.assume_multiple %parallel_loop3A_559, 16 : i32
      %parallel_loop3A_561 = arith.index_cast %parallel_loop3A_555 : i32 to index
      %parallel_loop3A_562 = arith.index_cast %parallel_loop3A_560 : i32 to index
      %parallel_loop3A_563 = tpu.vector_load %arg7[%parallel_loop3A_561, %parallel_loop3A_562] {strides = array<i32>} : memref<16x1024xf32, #tpu.memory_space<vmem>>, vector<1x16xf32>,
      %parallel_loop3A_564 = vector.shape_cast %parallel_loop3A_563 : vector<1x16xf32> to vector<16xf32>
      %parallel_loop3A_565 = arith.constant 48 : i32
      %parallel_loop3A_566 = arith.addi %parallel_loop3A_565, %parallel_loop3A_555 : i32
      %parallel_loop3A_567 = arith.index_cast %parallel_loop3A_566 : i32 to index
      %parallel_loop3A_568 = arith.index_cast %parallel_loop3A_560 : i32 to index
      %parallel_loop3A_569 = tpu.vector_load %arg5[%parallel_loop3A_567, %parallel_loop3A_568] {strides = array<i32>} : memref<64x1024xf32, #tpu.memory_space<vmem>>, vector<1x16xf32>,
      %parallel_loop3A_570 = vector.shape_cast %parallel_loop3A_569 : vector<1x16xf32> to vector<16xf32>
      %parallel_loop3A_571 = arith.addf %parallel_loop3A_564, %parallel_loop3A_570 : vector<16xf32>
      %parallel_loop3A_572 = arith.index_cast %parallel_loop3A_555 : i32 to index
      %parallel_loop3A_573 = arith.index_cast %parallel_loop3A_560 : i32 to index
      %parallel_loop3A_574 = tpu.vector_load %arg7[%parallel_loop3A_572, %parallel_loop3A_573] {strides = array<i32>} : memref<16x1024xf32, #tpu.memory_space<vmem>>, vector<1x16xf32>,
      %parallel_loop3A_575 = vector.shape_cast %parallel_loop3A_574 : vector<1x16xf32> to vector<16xf32>
      %parallel_loop3A_576 = vector.shape_cast %parallel_loop3A_571 : vector<16xf32> to vector<1x16xf32>
      tpu.vector_store %arg7[%parallel_loop3A_572, %parallel_loop3A_573], %parallel_loop3A_576 {strides = array<i32>} : memref<16x1024xf32, #tpu.memory_space<vmem>>, vector<1x16xf32>,
    } {sc.loop_unroll_factor = 8 : i64, sc.parallel_access}
    %add3A_266 = arith.constant 48 : i32
    %add3A_267 = arith.addi %mul3A_2, %add3A_266 : i32
    %dma_start3A_268 = arith.constant 1 : i32
    %dma_start3A_269 = arith.constant 0 : i32
    %dma_start3A_270 = tpu.memref_slice %arg4[%dma_start3A_268, %add3A_267, %dma_start3A_269] : memref<4x2048x1024xf32, #tpu.memory_space<hbm>> -> memref<1x16x1024xf32, #tpu.memory_space<hbm>>
    %dma_start3A_271 = tpu.memref_squeeze %dma_start3A_270 : memref<1x16x1024xf32, #tpu.memory_space<hbm>> -> memref<16x1024xf32, #tpu.memory_space<hbm>>
    %dma_start3A_272 = arith.constant 0 : i32
    %dma_start3A_273 = tpu.memref_slice %arg4[%dma_start3A_268, %add3A_267, %dma_start3A_272] : memref<4x2048x1024xf32, #tpu.memory_space<hbm>> -> memref<1x16x1024xf32, #tpu.memory_space<hbm>>
    %dma_start3A_274 = tpu.memref_squeeze %dma_start3A_273 : memref<1x16x1024xf32, #tpu.memory_space<hbm>> -> memref<16x1024xf32, #tpu.memory_space<hbm>>
    tpu.enqueue_dma source(%arg7 : memref<16x1024xf32, #tpu.memory_space<vmem>>) target(%dma_start3A_274 : memref<16x1024xf32, #tpu.memory_space<hbm>>) target_semaphore(%arg13 : memref<!tpu.dma_semaphore, #tpu.memory_space<semaphore_mem>>)
    %dma_wait3A_275 = arith.constant 1 : i32
    %dma_wait3A_276 = arith.constant 0 : i32
    %dma_wait3A_277 = tpu.memref_slice %arg4[%dma_wait3A_275, %add3A_232, %dma_wait3A_276] : memref<4x2048x1024xf32, #tpu.memory_space<hbm>> -> memref<1x16x1024xf32, #tpu.memory_space<hbm>>
    %dma_wait3A_278 = tpu.memref_squeeze %dma_wait3A_277 : memref<1x16x1024xf32, #tpu.memory_space<hbm>> -> memref<16x1024xf32, #tpu.memory_space<hbm>>
    %dma_wait3A_279 = arith.constant 0 : i32
    %dma_wait3A_280 = tpu.memref_slice %arg4[%dma_wait3A_275, %add3A_232, %dma_wait3A_279] : memref<4x2048x1024xf32, #tpu.memory_space<hbm>> -> memref<1x16x1024xf32, #tpu.memory_space<hbm>>
    %dma_wait3A_281 = tpu.memref_squeeze %dma_wait3A_280 : memref<1x16x1024xf32, #tpu.memory_space<hbm>> -> memref<16x1024xf32, #tpu.memory_space<hbm>>
    tpu.wait_dma2 semaphore(%arg12 : memref<!tpu.dma_semaphore, #tpu.memory_space<semaphore_mem>>) src(%arg6 : memref<16x1024xf32, #tpu.memory_space<vmem>>) dst(%dma_wait3A_281 : memref<16x1024xf32, #tpu.memory_space<hbm>>)
    %add3A_282 = arith.constant 16 : i32
    %add3A_283 = arith.addi %mul3A_2, %add3A_282 : i32
    %dma_start3A_284 = arith.constant 2 : i32
    %dma_start3A_285 = arith.constant 0 : i32
    %dma_start3A_286 = tpu.memref_slice %arg2[%dma_start3A_284, %add3A_283, %dma_start3A_285] : memref<4x2048x1024xf32, #tpu.memory_space<hbm>> -> memref<1x16x1024xf32, #tpu.memory_space<hbm>>
    %dma_start3A_287 = tpu.memref_squeeze %dma_start3A_286 : memref<1x16x1024xf32, #tpu.memory_space<hbm>> -> memref<16x1024xf32, #tpu.memory_space<hbm>>
    %dma_start3A_288 = arith.constant 0 : i32
    %dma_start3A_289 = tpu.memref_slice %arg2[%dma_start3A_284, %add3A_283, %dma_start3A_288] : memref<4x2048x1024xf32, #tpu.memory_space<hbm>> -> memref<1x16x1024xf32, #tpu.memory_space<hbm>>
    %dma_start3A_290 = tpu.memref_squeeze %dma_start3A_289 : memref<1x16x1024xf32, #tpu.memory_space<hbm>> -> memref<16x1024xf32, #tpu.memory_space<hbm>>
    tpu.enqueue_dma source(%dma_start3A_290 : memref<16x1024xf32, #tpu.memory_space<hbm>>) target(%arg6 : memref<16x1024xf32, #tpu.memory_space<vmem>>) target_semaphore(%arg9 : memref<!tpu.dma_semaphore, #tpu.memory_space<semaphore_mem>>)
    %dma_wait3A_291 = arith.constant 2 : i32
    %dma_wait3A_292 = arith.constant 0 : i32
    %dma_wait3A_293 = tpu.memref_slice %arg2[%dma_wait3A_291, %add3A_248, %dma_wait3A_292] : memref<4x2048x1024xf32, #tpu.memory_space<hbm>> -> memref<1x16x1024xf32, #tpu.memory_space<hbm>>
    %dma_wait3A_294 = tpu.memref_squeeze %dma_wait3A_293 : memref<1x16x1024xf32, #tpu.memory_space<hbm>> -> memref<16x1024xf32, #tpu.memory_space<hbm>>
    %dma_wait3A_295 = arith.constant 0 : i32
    %dma_wait3A_296 = tpu.memref_slice %arg2[%dma_wait3A_291, %add3A_248, %dma_wait3A_295] : memref<4x2048x1024xf32, #tpu.memory_space<hbm>> -> memref<1x16x1024xf32, #tpu.memory_space<hbm>>
    %dma_wait3A_297 = tpu.memref_squeeze %dma_wait3A_296 : memref<1x16x1024xf32, #tpu.memory_space<hbm>> -> memref<16x1024xf32, #tpu.memory_space<hbm>>
    tpu.wait_dma2 semaphore(%arg11 : memref<!tpu.dma_semaphore, #tpu.memory_space<semaphore_mem>>) src(%dma_wait3A_297 : memref<16x1024xf32, #tpu.memory_space<hbm>>) dst(%arg8 : memref<16x1024xf32, #tpu.memory_space<vmem>>)
    %parallel_loop3A_298 = arith.constant 0 : i32
    %parallel_loop3A_299 = arith.constant 1024 : i32
    %parallel_loop3A_300 = arith.constant 1 : i32
    scf.for %parallel_loop3A_553 = %parallel_loop3A_298 to %parallel_loop3A_299 step %parallel_loop3A_300  : i32 {
      %parallel_loop3A_554 = arith.constant 6 : i32
      %parallel_loop3A_555 = arith.shrsi %parallel_loop3A_553, %parallel_loop3A_554 : i32
      %parallel_loop3A_556 = arith.constant 63 : i32
      %parallel_loop3A_557 = arith.andi %parallel_loop3A_553, %parallel_loop3A_556 : i32
      %parallel_loop3A_558 = arith.constant 4 : i32
      %parallel_loop3A_559 = arith.shli %parallel_loop3A_557, %parallel_loop3A_558 : i32
      %parallel_loop3A_560 = tpu.assume_multiple %parallel_loop3A_559, 16 : i32
      %parallel_loop3A_561 = arith.index_cast %parallel_loop3A_555 : i32 to index
      %parallel_loop3A_562 = arith.index_cast %parallel_loop3A_560 : i32 to index
      %parallel_loop3A_563 = tpu.vector_load %arg8[%parallel_loop3A_561, %parallel_loop3A_562] {strides = array<i32>} : memref<16x1024xf32, #tpu.memory_space<vmem>>, vector<1x16xf32>,
      %parallel_loop3A_564 = vector.shape_cast %parallel_loop3A_563 : vector<1x16xf32> to vector<16xf32>
      %parallel_loop3A_565 = arith.constant 0 : i32
      %parallel_loop3A_566 = arith.addi %parallel_loop3A_565, %parallel_loop3A_555 : i32
      %parallel_loop3A_567 = arith.index_cast %parallel_loop3A_566 : i32 to index
      %parallel_loop3A_568 = arith.index_cast %parallel_loop3A_560 : i32 to index
      %parallel_loop3A_569 = tpu.vector_load %arg5[%parallel_loop3A_567, %parallel_loop3A_568] {strides = array<i32>} : memref<64x1024xf32, #tpu.memory_space<vmem>>, vector<1x16xf32>,
      %parallel_loop3A_570 = vector.shape_cast %parallel_loop3A_569 : vector<1x16xf32> to vector<16xf32>
      %parallel_loop3A_571 = arith.addf %parallel_loop3A_564, %parallel_loop3A_570 : vector<16xf32>
      %parallel_loop3A_572 = arith.index_cast %parallel_loop3A_555 : i32 to index
      %parallel_loop3A_573 = arith.index_cast %parallel_loop3A_560 : i32 to index
      %parallel_loop3A_574 = tpu.vector_load %arg8[%parallel_loop3A_572, %parallel_loop3A_573] {strides = array<i32>} : memref<16x1024xf32, #tpu.memory_space<vmem>>, vector<1x16xf32>,
      %parallel_loop3A_575 = vector.shape_cast %parallel_loop3A_574 : vector<1x16xf32> to vector<16xf32>
      %parallel_loop3A_576 = vector.shape_cast %parallel_loop3A_571 : vector<16xf32> to vector<1x16xf32>
      tpu.vector_store %arg8[%parallel_loop3A_572, %parallel_loop3A_573], %parallel_loop3A_576 {strides = array<i32>} : memref<16x1024xf32, #tpu.memory_space<vmem>>, vector<1x16xf32>,
    } {sc.loop_unroll_factor = 8 : i64, sc.parallel_access}
    %add3A_301 = arith.constant 0 : i32
    %add3A_302 = arith.addi %mul3A_2, %add3A_301 : i32
    %dma_start3A_303 = arith.constant 2 : i32
    %dma_start3A_304 = arith.constant 0 : i32
    %dma_start3A_305 = tpu.memref_slice %arg4[%dma_start3A_303, %add3A_302, %dma_start3A_304] : memref<4x2048x1024xf32, #tpu.memory_space<hbm>> -> memref<1x16x1024xf32, #tpu.memory_space<hbm>>
    %dma_start3A_306 = tpu.memref_squeeze %dma_start3A_305 : memref<1x16x1024xf32, #tpu.memory_space<hbm>> -> memref<16x1024xf32, #tpu.memory_space<hbm>>
    %dma_start3A_307 = arith.constant 0 : i32
    %dma_start3A_308 = tpu.memref_slice %arg4[%dma_start3A_303, %add3A_302, %dma_start3A_307] : memref<4x2048x1024xf32, #tpu.memory_space<hbm>> -> memref<1x16x1024xf32, #tpu.memory_space<hbm>>
    %dma_start3A_309 = tpu.memref_squeeze %dma_start3A_308 : memref<1x16x1024xf32, #tpu.memory_space<hbm>> -> memref<16x1024xf32, #tpu.memory_space<hbm>>
    tpu.enqueue_dma source(%arg8 : memref<16x1024xf32, #tpu.memory_space<vmem>>) target(%dma_start3A_309 : memref<16x1024xf32, #tpu.memory_space<hbm>>) target_semaphore(%arg14 : memref<!tpu.dma_semaphore, #tpu.memory_space<semaphore_mem>>)
    %dma_wait3A_310 = arith.constant 1 : i32
    %dma_wait3A_311 = arith.constant 0 : i32
    %dma_wait3A_312 = tpu.memref_slice %arg4[%dma_wait3A_310, %add3A_267, %dma_wait3A_311] : memref<4x2048x1024xf32, #tpu.memory_space<hbm>> -> memref<1x16x1024xf32, #tpu.memory_space<hbm>>
    %dma_wait3A_313 = tpu.memref_squeeze %dma_wait3A_312 : memref<1x16x1024xf32, #tpu.memory_space<hbm>> -> memref<16x1024xf32, #tpu.memory_space<hbm>>
    %dma_wait3A_314 = arith.constant 0 : i32
    %dma_wait3A_315 = tpu.memref_slice %arg4[%dma_wait3A_310, %add3A_267, %dma_wait3A_314] : memref<4x2048x1024xf32, #tpu.memory_space<hbm>> -> memref<1x16x1024xf32, #tpu.memory_space<hbm>>
    %dma_wait3A_316 = tpu.memref_squeeze %dma_wait3A_315 : memref<1x16x1024xf32, #tpu.memory_space<hbm>> -> memref<16x1024xf32, #tpu.memory_space<hbm>>
    tpu.wait_dma2 semaphore(%arg13 : memref<!tpu.dma_semaphore, #tpu.memory_space<semaphore_mem>>) src(%arg7 : memref<16x1024xf32, #tpu.memory_space<vmem>>) dst(%dma_wait3A_316 : memref<16x1024xf32, #tpu.memory_space<hbm>>)
    %add3A_317 = arith.constant 32 : i32
    %add3A_318 = arith.addi %mul3A_2, %add3A_317 : i32
    %dma_start3A_319 = arith.constant 2 : i32
    %dma_start3A_320 = arith.constant 0 : i32
    %dma_start3A_321 = tpu.memref_slice %arg2[%dma_start3A_319, %add3A_318, %dma_start3A_320] : memref<4x2048x1024xf32, #tpu.memory_space<hbm>> -> memref<1x16x1024xf32, #tpu.memory_space<hbm>>
    %dma_start3A_322 = tpu.memref_squeeze %dma_start3A_321 : memref<1x16x1024xf32, #tpu.memory_space<hbm>> -> memref<16x1024xf32, #tpu.memory_space<hbm>>
    %dma_start3A_323 = arith.constant 0 : i32
    %dma_start3A_324 = tpu.memref_slice %arg2[%dma_start3A_319, %add3A_318, %dma_start3A_323] : memref<4x2048x1024xf32, #tpu.memory_space<hbm>> -> memref<1x16x1024xf32, #tpu.memory_space<hbm>>
    %dma_start3A_325 = tpu.memref_squeeze %dma_start3A_324 : memref<1x16x1024xf32, #tpu.memory_space<hbm>> -> memref<16x1024xf32, #tpu.memory_space<hbm>>
    tpu.enqueue_dma source(%dma_start3A_325 : memref<16x1024xf32, #tpu.memory_space<hbm>>) target(%arg7 : memref<16x1024xf32, #tpu.memory_space<vmem>>) target_semaphore(%arg10 : memref<!tpu.dma_semaphore, #tpu.memory_space<semaphore_mem>>)
    %dma_wait3A_326 = arith.constant 2 : i32
    %dma_wait3A_327 = arith.constant 0 : i32
    %dma_wait3A_328 = tpu.memref_slice %arg2[%dma_wait3A_326, %add3A_283, %dma_wait3A_327] : memref<4x2048x1024xf32, #tpu.memory_space<hbm>> -> memref<1x16x1024xf32, #tpu.memory_space<hbm>>
    %dma_wait3A_329 = tpu.memref_squeeze %dma_wait3A_328 : memref<1x16x1024xf32, #tpu.memory_space<hbm>> -> memref<16x1024xf32, #tpu.memory_space<hbm>>
    %dma_wait3A_330 = arith.constant 0 : i32
    %dma_wait3A_331 = tpu.memref_slice %arg2[%dma_wait3A_326, %add3A_283, %dma_wait3A_330] : memref<4x2048x1024xf32, #tpu.memory_space<hbm>> -> memref<1x16x1024xf32, #tpu.memory_space<hbm>>
    %dma_wait3A_332 = tpu.memref_squeeze %dma_wait3A_331 : memref<1x16x1024xf32, #tpu.memory_space<hbm>> -> memref<16x1024xf32, #tpu.memory_space<hbm>>
    tpu.wait_dma2 semaphore(%arg9 : memref<!tpu.dma_semaphore, #tpu.memory_space<semaphore_mem>>) src(%dma_wait3A_332 : memref<16x1024xf32, #tpu.memory_space<hbm>>) dst(%arg6 : memref<16x1024xf32, #tpu.memory_space<vmem>>)
    %parallel_loop3A_333 = arith.constant 0 : i32
    %parallel_loop3A_334 = arith.constant 1024 : i32
    %parallel_loop3A_335 = arith.constant 1 : i32
    scf.for %parallel_loop3A_553 = %parallel_loop3A_333 to %parallel_loop3A_334 step %parallel_loop3A_335  : i32 {
      %parallel_loop3A_554 = arith.constant 6 : i32
      %parallel_loop3A_555 = arith.shrsi %parallel_loop3A_553, %parallel_loop3A_554 : i32
      %parallel_loop3A_556 = arith.constant 63 : i32
      %parallel_loop3A_557 = arith.andi %parallel_loop3A_553, %parallel_loop3A_556 : i32
      %parallel_loop3A_558 = arith.constant 4 : i32
      %parallel_loop3A_559 = arith.shli %parallel_loop3A_557, %parallel_loop3A_558 : i32
      %parallel_loop3A_560 = tpu.assume_multiple %parallel_loop3A_559, 16 : i32
      %parallel_loop3A_561 = arith.index_cast %parallel_loop3A_555 : i32 to index
      %parallel_loop3A_562 = arith.index_cast %parallel_loop3A_560 : i32 to index
      %parallel_loop3A_563 = tpu.vector_load %arg6[%parallel_loop3A_561, %parallel_loop3A_562] {strides = array<i32>} : memref<16x1024xf32, #tpu.memory_space<vmem>>, vector<1x16xf32>,
      %parallel_loop3A_564 = vector.shape_cast %parallel_loop3A_563 : vector<1x16xf32> to vector<16xf32>
      %parallel_loop3A_565 = arith.constant 16 : i32
      %parallel_loop3A_566 = arith.addi %parallel_loop3A_565, %parallel_loop3A_555 : i32
      %parallel_loop3A_567 = arith.index_cast %parallel_loop3A_566 : i32 to index
      %parallel_loop3A_568 = arith.index_cast %parallel_loop3A_560 : i32 to index
      %parallel_loop3A_569 = tpu.vector_load %arg5[%parallel_loop3A_567, %parallel_loop3A_568] {strides = array<i32>} : memref<64x1024xf32, #tpu.memory_space<vmem>>, vector<1x16xf32>,
      %parallel_loop3A_570 = vector.shape_cast %parallel_loop3A_569 : vector<1x16xf32> to vector<16xf32>
      %parallel_loop3A_571 = arith.addf %parallel_loop3A_564, %parallel_loop3A_570 : vector<16xf32>
      %parallel_loop3A_572 = arith.index_cast %parallel_loop3A_555 : i32 to index
      %parallel_loop3A_573 = arith.index_cast %parallel_loop3A_560 : i32 to index
      %parallel_loop3A_574 = tpu.vector_load %arg6[%parallel_loop3A_572, %parallel_loop3A_573] {strides = array<i32>} : memref<16x1024xf32, #tpu.memory_space<vmem>>, vector<1x16xf32>,
      %parallel_loop3A_575 = vector.shape_cast %parallel_loop3A_574 : vector<1x16xf32> to vector<16xf32>
      %parallel_loop3A_576 = vector.shape_cast %parallel_loop3A_571 : vector<16xf32> to vector<1x16xf32>
      tpu.vector_store %arg6[%parallel_loop3A_572, %parallel_loop3A_573], %parallel_loop3A_576 {strides = array<i32>} : memref<16x1024xf32, #tpu.memory_space<vmem>>, vector<1x16xf32>,
    } {sc.loop_unroll_factor = 8 : i64, sc.parallel_access}
    %add3A_336 = arith.constant 16 : i32
    %add3A_337 = arith.addi %mul3A_2, %add3A_336 : i32
    %dma_start3A_338 = arith.constant 2 : i32
    %dma_start3A_339 = arith.constant 0 : i32
    %dma_start3A_340 = tpu.memref_slice %arg4[%dma_start3A_338, %add3A_337, %dma_start3A_339] : memref<4x2048x1024xf32, #tpu.memory_space<hbm>> -> memref<1x16x1024xf32, #tpu.memory_space<hbm>>
    %dma_start3A_341 = tpu.memref_squeeze %dma_start3A_340 : memref<1x16x1024xf32, #tpu.memory_space<hbm>> -> memref<16x1024xf32, #tpu.memory_space<hbm>>
    %dma_start3A_342 = arith.constant 0 : i32
    %dma_start3A_343 = tpu.memref_slice %arg4[%dma_start3A_338, %add3A_337, %dma_start3A_342] : memref<4x2048x1024xf32, #tpu.memory_space<hbm>> -> memref<1x16x1024xf32, #tpu.memory_space<hbm>>
    %dma_start3A_344 = tpu.memref_squeeze %dma_start3A_343 : memref<1x16x1024xf32, #tpu.memory_space<hbm>> -> memref<16x1024xf32, #tpu.memory_space<hbm>>
    tpu.enqueue_dma source(%arg6 : memref<16x1024xf32, #tpu.memory_space<vmem>>) target(%dma_start3A_344 : memref<16x1024xf32, #tpu.memory_space<hbm>>) target_semaphore(%arg12 : memref<!tpu.dma_semaphore, #tpu.memory_space<semaphore_mem>>)
    %dma_wait3A_345 = arith.constant 2 : i32
    %dma_wait3A_346 = arith.constant 0 : i32
    %dma_wait3A_347 = tpu.memref_slice %arg4[%dma_wait3A_345, %add3A_302, %dma_wait3A_346] : memref<4x2048x1024xf32, #tpu.memory_space<hbm>> -> memref<1x16x1024xf32, #tpu.memory_space<hbm>>
    %dma_wait3A_348 = tpu.memref_squeeze %dma_wait3A_347 : memref<1x16x1024xf32, #tpu.memory_space<hbm>> -> memref<16x1024xf32, #tpu.memory_space<hbm>>
    %dma_wait3A_349 = arith.constant 0 : i32
    %dma_wait3A_350 = tpu.memref_slice %arg4[%dma_wait3A_345, %add3A_302, %dma_wait3A_349] : memref<4x2048x1024xf32, #tpu.memory_space<hbm>> -> memref<1x16x1024xf32, #tpu.memory_space<hbm>>
    %dma_wait3A_351 = tpu.memref_squeeze %dma_wait3A_350 : memref<1x16x1024xf32, #tpu.memory_space<hbm>> -> memref<16x1024xf32, #tpu.memory_space<hbm>>
    tpu.wait_dma2 semaphore(%arg14 : memref<!tpu.dma_semaphore, #tpu.memory_space<semaphore_mem>>) src(%arg8 : memref<16x1024xf32, #tpu.memory_space<vmem>>) dst(%dma_wait3A_351 : memref<16x1024xf32, #tpu.memory_space<hbm>>)
    %add3A_352 = arith.constant 48 : i32
    %add3A_353 = arith.addi %mul3A_2, %add3A_352 : i32
    %dma_start3A_354 = arith.constant 2 : i32
    %dma_start3A_355 = arith.constant 0 : i32
    %dma_start3A_356 = tpu.memref_slice %arg2[%dma_start3A_354, %add3A_353, %dma_start3A_355] : memref<4x2048x1024xf32, #tpu.memory_space<hbm>> -> memref<1x16x1024xf32, #tpu.memory_space<hbm>>
    %dma_start3A_357 = tpu.memref_squeeze %dma_start3A_356 : memref<1x16x1024xf32, #tpu.memory_space<hbm>> -> memref<16x1024xf32, #tpu.memory_space<hbm>>
    %dma_start3A_358 = arith.constant 0 : i32
    %dma_start3A_359 = tpu.memref_slice %arg2[%dma_start3A_354, %add3A_353, %dma_start3A_358] : memref<4x2048x1024xf32, #tpu.memory_space<hbm>> -> memref<1x16x1024xf32, #tpu.memory_space<hbm>>
    %dma_start3A_360 = tpu.memref_squeeze %dma_start3A_359 : memref<1x16x1024xf32, #tpu.memory_space<hbm>> -> memref<16x1024xf32, #tpu.memory_space<hbm>>
    tpu.enqueue_dma source(%dma_start3A_360 : memref<16x1024xf32, #tpu.memory_space<hbm>>) target(%arg8 : memref<16x1024xf32, #tpu.memory_space<vmem>>) target_semaphore(%arg11 : memref<!tpu.dma_semaphore, #tpu.memory_space<semaphore_mem>>)
    %dma_wait3A_361 = arith.constant 2 : i32
    %dma_wait3A_362 = arith.constant 0 : i32
    %dma_wait3A_363 = tpu.memref_slice %arg2[%dma_wait3A_361, %add3A_318, %dma_wait3A_362] : memref<4x2048x1024xf32, #tpu.memory_space<hbm>> -> memref<1x16x1024xf32, #tpu.memory_space<hbm>>
    %dma_wait3A_364 = tpu.memref_squeeze %dma_wait3A_363 : memref<1x16x1024xf32, #tpu.memory_space<hbm>> -> memref<16x1024xf32, #tpu.memory_space<hbm>>
    %dma_wait3A_365 = arith.constant 0 : i32
    %dma_wait3A_366 = tpu.memref_slice %arg2[%dma_wait3A_361, %add3A_318, %dma_wait3A_365] : memref<4x2048x1024xf32, #tpu.memory_space<hbm>> -> memref<1x16x1024xf32, #tpu.memory_space<hbm>>
    %dma_wait3A_367 = tpu.memref_squeeze %dma_wait3A_366 : memref<1x16x1024xf32, #tpu.memory_space<hbm>> -> memref<16x1024xf32, #tpu.memory_space<hbm>>
    tpu.wait_dma2 semaphore(%arg10 : memref<!tpu.dma_semaphore, #tpu.memory_space<semaphore_mem>>) src(%dma_wait3A_367 : memref<16x1024xf32, #tpu.memory_space<hbm>>) dst(%arg7 : memref<16x1024xf32, #tpu.memory_space<vmem>>)
    %parallel_loop3A_368 = arith.constant 0 : i32
    %parallel_loop3A_369 = arith.constant 1024 : i32
    %parallel_loop3A_370 = arith.constant 1 : i32
    scf.for %parallel_loop3A_553 = %parallel_loop3A_368 to %parallel_loop3A_369 step %parallel_loop3A_370  : i32 {
      %parallel_loop3A_554 = arith.constant 6 : i32
      %parallel_loop3A_555 = arith.shrsi %parallel_loop3A_553, %parallel_loop3A_554 : i32
      %parallel_loop3A_556 = arith.constant 63 : i32
      %parallel_loop3A_557 = arith.andi %parallel_loop3A_553, %parallel_loop3A_556 : i32
      %parallel_loop3A_558 = arith.constant 4 : i32
      %parallel_loop3A_559 = arith.shli %parallel_loop3A_557, %parallel_loop3A_558 : i32
      %parallel_loop3A_560 = tpu.assume_multiple %parallel_loop3A_559, 16 : i32
      %parallel_loop3A_561 = arith.index_cast %parallel_loop3A_555 : i32 to index
      %parallel_loop3A_562 = arith.index_cast %parallel_loop3A_560 : i32 to index
      %parallel_loop3A_563 = tpu.vector_load %arg7[%parallel_loop3A_561, %parallel_loop3A_562] {strides = array<i32>} : memref<16x1024xf32, #tpu.memory_space<vmem>>, vector<1x16xf32>,
      %parallel_loop3A_564 = vector.shape_cast %parallel_loop3A_563 : vector<1x16xf32> to vector<16xf32>
      %parallel_loop3A_565 = arith.constant 32 : i32
      %parallel_loop3A_566 = arith.addi %parallel_loop3A_565, %parallel_loop3A_555 : i32
      %parallel_loop3A_567 = arith.index_cast %parallel_loop3A_566 : i32 to index
      %parallel_loop3A_568 = arith.index_cast %parallel_loop3A_560 : i32 to index
      %parallel_loop3A_569 = tpu.vector_load %arg5[%parallel_loop3A_567, %parallel_loop3A_568] {strides = array<i32>} : memref<64x1024xf32, #tpu.memory_space<vmem>>, vector<1x16xf32>,
      %parallel_loop3A_570 = vector.shape_cast %parallel_loop3A_569 : vector<1x16xf32> to vector<16xf32>
      %parallel_loop3A_571 = arith.addf %parallel_loop3A_564, %parallel_loop3A_570 : vector<16xf32>
      %parallel_loop3A_572 = arith.index_cast %parallel_loop3A_555 : i32 to index
      %parallel_loop3A_573 = arith.index_cast %parallel_loop3A_560 : i32 to index
      %parallel_loop3A_574 = tpu.vector_load %arg7[%parallel_loop3A_572, %parallel_loop3A_573] {strides = array<i32>} : memref<16x1024xf32, #tpu.memory_space<vmem>>, vector<1x16xf32>,
      %parallel_loop3A_575 = vector.shape_cast %parallel_loop3A_574 : vector<1x16xf32> to vector<16xf32>
      %parallel_loop3A_576 = vector.shape_cast %parallel_loop3A_571 : vector<16xf32> to vector<1x16xf32>
      tpu.vector_store %arg7[%parallel_loop3A_572, %parallel_loop3A_573], %parallel_loop3A_576 {strides = array<i32>} : memref<16x1024xf32, #tpu.memory_space<vmem>>, vector<1x16xf32>,
    } {sc.loop_unroll_factor = 8 : i64, sc.parallel_access}
    %add3A_371 = arith.constant 32 : i32
    %add3A_372 = arith.addi %mul3A_2, %add3A_371 : i32
    %dma_start3A_373 = arith.constant 2 : i32
    %dma_start3A_374 = arith.constant 0 : i32
    %dma_start3A_375 = tpu.memref_slice %arg4[%dma_start3A_373, %add3A_372, %dma_start3A_374] : memref<4x2048x1024xf32, #tpu.memory_space<hbm>> -> memref<1x16x1024xf32, #tpu.memory_space<hbm>>
    %dma_start3A_376 = tpu.memref_squeeze %dma_start3A_375 : memref<1x16x1024xf32, #tpu.memory_space<hbm>> -> memref<16x1024xf32, #tpu.memory_space<hbm>>
    %dma_start3A_377 = arith.constant 0 : i32
    %dma_start3A_378 = tpu.memref_slice %arg4[%dma_start3A_373, %add3A_372, %dma_start3A_377] : memref<4x2048x1024xf32, #tpu.memory_space<hbm>> -> memref<1x16x1024xf32, #tpu.memory_space<hbm>>
    %dma_start3A_379 = tpu.memref_squeeze %dma_start3A_378 : memref<1x16x1024xf32, #tpu.memory_space<hbm>> -> memref<16x1024xf32, #tpu.memory_space<hbm>>
    tpu.enqueue_dma source(%arg7 : memref<16x1024xf32, #tpu.memory_space<vmem>>) target(%dma_start3A_379 : memref<16x1024xf32, #tpu.memory_space<hbm>>) target_semaphore(%arg13 : memref<!tpu.dma_semaphore, #tpu.memory_space<semaphore_mem>>)
    %dma_wait3A_380 = arith.constant 2 : i32
    %dma_wait3A_381 = arith.constant 0 : i32
    %dma_wait3A_382 = tpu.memref_slice %arg4[%dma_wait3A_380, %add3A_337, %dma_wait3A_381] : memref<4x2048x1024xf32, #tpu.memory_space<hbm>> -> memref<1x16x1024xf32, #tpu.memory_space<hbm>>
    %dma_wait3A_383 = tpu.memref_squeeze %dma_wait3A_382 : memref<1x16x1024xf32, #tpu.memory_space<hbm>> -> memref<16x1024xf32, #tpu.memory_space<hbm>>
    %dma_wait3A_384 = arith.constant 0 : i32
    %dma_wait3A_385 = tpu.memref_slice %arg4[%dma_wait3A_380, %add3A_337, %dma_wait3A_384] : memref<4x2048x1024xf32, #tpu.memory_space<hbm>> -> memref<1x16x1024xf32, #tpu.memory_space<hbm>>
    %dma_wait3A_386 = tpu.memref_squeeze %dma_wait3A_385 : memref<1x16x1024xf32, #tpu.memory_space<hbm>> -> memref<16x1024xf32, #tpu.memory_space<hbm>>
    tpu.wait_dma2 semaphore(%arg12 : memref<!tpu.dma_semaphore, #tpu.memory_space<semaphore_mem>>) src(%arg6 : memref<16x1024xf32, #tpu.memory_space<vmem>>) dst(%dma_wait3A_386 : memref<16x1024xf32, #tpu.memory_space<hbm>>)
    %add3A_387 = arith.constant 0 : i32
    %add3A_388 = arith.addi %mul3A_2, %add3A_387 : i32
    %dma_start3A_389 = arith.constant 3 : i32
    %dma_start3A_390 = arith.constant 0 : i32
    %dma_start3A_391 = tpu.memref_slice %arg2[%dma_start3A_389, %add3A_388, %dma_start3A_390] : memref<4x2048x1024xf32, #tpu.memory_space<hbm>> -> memref<1x16x1024xf32, #tpu.memory_space<hbm>>
    %dma_start3A_392 = tpu.memref_squeeze %dma_start3A_391 : memref<1x16x1024xf32, #tpu.memory_space<hbm>> -> memref<16x1024xf32, #tpu.memory_space<hbm>>
    %dma_start3A_393 = arith.constant 0 : i32
    %dma_start3A_394 = tpu.memref_slice %arg2[%dma_start3A_389, %add3A_388, %dma_start3A_393] : memref<4x2048x1024xf32, #tpu.memory_space<hbm>> -> memref<1x16x1024xf32, #tpu.memory_space<hbm>>
    %dma_start3A_395 = tpu.memref_squeeze %dma_start3A_394 : memref<1x16x1024xf32, #tpu.memory_space<hbm>> -> memref<16x1024xf32, #tpu.memory_space<hbm>>
    tpu.enqueue_dma source(%dma_start3A_395 : memref<16x1024xf32, #tpu.memory_space<hbm>>) target(%arg6 : memref<16x1024xf32, #tpu.memory_space<vmem>>) target_semaphore(%arg9 : memref<!tpu.dma_semaphore, #tpu.memory_space<semaphore_mem>>)
    %dma_wait3A_396 = arith.constant 2 : i32
    %dma_wait3A_397 = arith.constant 0 : i32
    %dma_wait3A_398 = tpu.memref_slice %arg2[%dma_wait3A_396, %add3A_353, %dma_wait3A_397] : memref<4x2048x1024xf32, #tpu.memory_space<hbm>> -> memref<1x16x1024xf32, #tpu.memory_space<hbm>>
    %dma_wait3A_399 = tpu.memref_squeeze %dma_wait3A_398 : memref<1x16x1024xf32, #tpu.memory_space<hbm>> -> memref<16x1024xf32, #tpu.memory_space<hbm>>
    %dma_wait3A_400 = arith.constant 0 : i32
    %dma_wait3A_401 = tpu.memref_slice %arg2[%dma_wait3A_396, %add3A_353, %dma_wait3A_400] : memref<4x2048x1024xf32, #tpu.memory_space<hbm>> -> memref<1x16x1024xf32, #tpu.memory_space<hbm>>
    %dma_wait3A_402 = tpu.memref_squeeze %dma_wait3A_401 : memref<1x16x1024xf32, #tpu.memory_space<hbm>> -> memref<16x1024xf32, #tpu.memory_space<hbm>>
    tpu.wait_dma2 semaphore(%arg11 : memref<!tpu.dma_semaphore, #tpu.memory_space<semaphore_mem>>) src(%dma_wait3A_402 : memref<16x1024xf32, #tpu.memory_space<hbm>>) dst(%arg8 : memref<16x1024xf32, #tpu.memory_space<vmem>>)
    %parallel_loop3A_403 = arith.constant 0 : i32
    %parallel_loop3A_404 = arith.constant 1024 : i32
    %parallel_loop3A_405 = arith.constant 1 : i32
    scf.for %parallel_loop3A_553 = %parallel_loop3A_403 to %parallel_loop3A_404 step %parallel_loop3A_405  : i32 {
      %parallel_loop3A_554 = arith.constant 6 : i32
      %parallel_loop3A_555 = arith.shrsi %parallel_loop3A_553, %parallel_loop3A_554 : i32
      %parallel_loop3A_556 = arith.constant 63 : i32
      %parallel_loop3A_557 = arith.andi %parallel_loop3A_553, %parallel_loop3A_556 : i32
      %parallel_loop3A_558 = arith.constant 4 : i32
      %parallel_loop3A_559 = arith.shli %parallel_loop3A_557, %parallel_loop3A_558 : i32
      %parallel_loop3A_560 = tpu.assume_multiple %parallel_loop3A_559, 16 : i32
      %parallel_loop3A_561 = arith.index_cast %parallel_loop3A_555 : i32 to index
      %parallel_loop3A_562 = arith.index_cast %parallel_loop3A_560 : i32 to index
      %parallel_loop3A_563 = tpu.vector_load %arg8[%parallel_loop3A_561, %parallel_loop3A_562] {strides = array<i32>} : memref<16x1024xf32, #tpu.memory_space<vmem>>, vector<1x16xf32>,
      %parallel_loop3A_564 = vector.shape_cast %parallel_loop3A_563 : vector<1x16xf32> to vector<16xf32>
      %parallel_loop3A_565 = arith.constant 48 : i32
      %parallel_loop3A_566 = arith.addi %parallel_loop3A_565, %parallel_loop3A_555 : i32
      %parallel_loop3A_567 = arith.index_cast %parallel_loop3A_566 : i32 to index
      %parallel_loop3A_568 = arith.index_cast %parallel_loop3A_560 : i32 to index
      %parallel_loop3A_569 = tpu.vector_load %arg5[%parallel_loop3A_567, %parallel_loop3A_568] {strides = array<i32>} : memref<64x1024xf32, #tpu.memory_space<vmem>>, vector<1x16xf32>,
      %parallel_loop3A_570 = vector.shape_cast %parallel_loop3A_569 : vector<1x16xf32> to vector<16xf32>
      %parallel_loop3A_571 = arith.addf %parallel_loop3A_564, %parallel_loop3A_570 : vector<16xf32>
      %parallel_loop3A_572 = arith.index_cast %parallel_loop3A_555 : i32 to index
      %parallel_loop3A_573 = arith.index_cast %parallel_loop3A_560 : i32 to index
      %parallel_loop3A_574 = tpu.vector_load %arg8[%parallel_loop3A_572, %parallel_loop3A_573] {strides = array<i32>} : memref<16x1024xf32, #tpu.memory_space<vmem>>, vector<1x16xf32>,
      %parallel_loop3A_575 = vector.shape_cast %parallel_loop3A_574 : vector<1x16xf32> to vector<16xf32>
      %parallel_loop3A_576 = vector.shape_cast %parallel_loop3A_571 : vector<16xf32> to vector<1x16xf32>
      tpu.vector_store %arg8[%parallel_loop3A_572, %parallel_loop3A_573], %parallel_loop3A_576 {strides = array<i32>} : memref<16x1024xf32, #tpu.memory_space<vmem>>, vector<1x16xf32>,
    } {sc.loop_unroll_factor = 8 : i64, sc.parallel_access}
    %add3A_406 = arith.constant 48 : i32
    %add3A_407 = arith.addi %mul3A_2, %add3A_406 : i32
    %dma_start3A_408 = arith.constant 2 : i32
    %dma_start3A_409 = arith.constant 0 : i32
    %dma_start3A_410 = tpu.memref_slice %arg4[%dma_start3A_408, %add3A_407, %dma_start3A_409] : memref<4x2048x1024xf32, #tpu.memory_space<hbm>> -> memref<1x16x1024xf32, #tpu.memory_space<hbm>>
    %dma_start3A_411 = tpu.memref_squeeze %dma_start3A_410 : memref<1x16x1024xf32, #tpu.memory_space<hbm>> -> memref<16x1024xf32, #tpu.memory_space<hbm>>
    %dma_start3A_412 = arith.constant 0 : i32
    %dma_start3A_413 = tpu.memref_slice %arg4[%dma_start3A_408, %add3A_407, %dma_start3A_412] : memref<4x2048x1024xf32, #tpu.memory_space<hbm>> -> memref<1x16x1024xf32, #tpu.memory_space<hbm>>
    %dma_start3A_414 = tpu.memref_squeeze %dma_start3A_413 : memref<1x16x1024xf32, #tpu.memory_space<hbm>> -> memref<16x1024xf32, #tpu.memory_space<hbm>>
    tpu.enqueue_dma source(%arg8 : memref<16x1024xf32, #tpu.memory_space<vmem>>) target(%dma_start3A_414 : memref<16x1024xf32, #tpu.memory_space<hbm>>) target_semaphore(%arg14 : memref<!tpu.dma_semaphore, #tpu.memory_space<semaphore_mem>>)
    %dma_wait3A_415 = arith.constant 2 : i32
    %dma_wait3A_416 = arith.constant 0 : i32
    %dma_wait3A_417 = tpu.memref_slice %arg4[%dma_wait3A_415, %add3A_372, %dma_wait3A_416] : memref<4x2048x1024xf32, #tpu.memory_space<hbm>> -> memref<1x16x1024xf32, #tpu.memory_space<hbm>>
    %dma_wait3A_418 = tpu.memref_squeeze %dma_wait3A_417 : memref<1x16x1024xf32, #tpu.memory_space<hbm>> -> memref<16x1024xf32, #tpu.memory_space<hbm>>
    %dma_wait3A_419 = arith.constant 0 : i32
    %dma_wait3A_420 = tpu.memref_slice %arg4[%dma_wait3A_415, %add3A_372, %dma_wait3A_419] : memref<4x2048x1024xf32, #tpu.memory_space<hbm>> -> memref<1x16x1024xf32, #tpu.memory_space<hbm>>
    %dma_wait3A_421 = tpu.memref_squeeze %dma_wait3A_420 : memref<1x16x1024xf32, #tpu.memory_space<hbm>> -> memref<16x1024xf32, #tpu.memory_space<hbm>>
    tpu.wait_dma2 semaphore(%arg13 : memref<!tpu.dma_semaphore, #tpu.memory_space<semaphore_mem>>) src(%arg7 : memref<16x1024xf32, #tpu.memory_space<vmem>>) dst(%dma_wait3A_421 : memref<16x1024xf32, #tpu.memory_space<hbm>>)
    %add3A_422 = arith.constant 16 : i32
    %add3A_423 = arith.addi %mul3A_2, %add3A_422 : i32
    %dma_start3A_424 = arith.constant 3 : i32
    %dma_start3A_425 = arith.constant 0 : i32
    %dma_start3A_426 = tpu.memref_slice %arg2[%dma_start3A_424, %add3A_423, %dma_start3A_425] : memref<4x2048x1024xf32, #tpu.memory_space<hbm>> -> memref<1x16x1024xf32, #tpu.memory_space<hbm>>
    %dma_start3A_427 = tpu.memref_squeeze %dma_start3A_426 : memref<1x16x1024xf32, #tpu.memory_space<hbm>> -> memref<16x1024xf32, #tpu.memory_space<hbm>>
    %dma_start3A_428 = arith.constant 0 : i32
    %dma_start3A_429 = tpu.memref_slice %arg2[%dma_start3A_424, %add3A_423, %dma_start3A_428] : memref<4x2048x1024xf32, #tpu.memory_space<hbm>> -> memref<1x16x1024xf32, #tpu.memory_space<hbm>>
    %dma_start3A_430 = tpu.memref_squeeze %dma_start3A_429 : memref<1x16x1024xf32, #tpu.memory_space<hbm>> -> memref<16x1024xf32, #tpu.memory_space<hbm>>
    tpu.enqueue_dma source(%dma_start3A_430 : memref<16x1024xf32, #tpu.memory_space<hbm>>) target(%arg7 : memref<16x1024xf32, #tpu.memory_space<vmem>>) target_semaphore(%arg10 : memref<!tpu.dma_semaphore, #tpu.memory_space<semaphore_mem>>)
    %dma_wait3A_431 = arith.constant 3 : i32
    %dma_wait3A_432 = arith.constant 0 : i32
    %dma_wait3A_433 = tpu.memref_slice %arg2[%dma_wait3A_431, %add3A_388, %dma_wait3A_432] : memref<4x2048x1024xf32, #tpu.memory_space<hbm>> -> memref<1x16x1024xf32, #tpu.memory_space<hbm>>
    %dma_wait3A_434 = tpu.memref_squeeze %dma_wait3A_433 : memref<1x16x1024xf32, #tpu.memory_space<hbm>> -> memref<16x1024xf32, #tpu.memory_space<hbm>>
    %dma_wait3A_435 = arith.constant 0 : i32
    %dma_wait3A_436 = tpu.memref_slice %arg2[%dma_wait3A_431, %add3A_388, %dma_wait3A_435] : memref<4x2048x1024xf32, #tpu.memory_space<hbm>> -> memref<1x16x1024xf32, #tpu.memory_space<hbm>>
    %dma_wait3A_437 = tpu.memref_squeeze %dma_wait3A_436 : memref<1x16x1024xf32, #tpu.memory_space<hbm>> -> memref<16x1024xf32, #tpu.memory_space<hbm>>
    tpu.wait_dma2 semaphore(%arg9 : memref<!tpu.dma_semaphore, #tpu.memory_space<semaphore_mem>>) src(%dma_wait3A_437 : memref<16x1024xf32, #tpu.memory_space<hbm>>) dst(%arg6 : memref<16x1024xf32, #tpu.memory_space<vmem>>)
    %parallel_loop3A_438 = arith.constant 0 : i32
    %parallel_loop3A_439 = arith.constant 1024 : i32
    %parallel_loop3A_440 = arith.constant 1 : i32
    scf.for %parallel_loop3A_553 = %parallel_loop3A_438 to %parallel_loop3A_439 step %parallel_loop3A_440  : i32 {
      %parallel_loop3A_554 = arith.constant 6 : i32
      %parallel_loop3A_555 = arith.shrsi %parallel_loop3A_553, %parallel_loop3A_554 : i32
      %parallel_loop3A_556 = arith.constant 63 : i32
      %parallel_loop3A_557 = arith.andi %parallel_loop3A_553, %parallel_loop3A_556 : i32
      %parallel_loop3A_558 = arith.constant 4 : i32
      %parallel_loop3A_559 = arith.shli %parallel_loop3A_557, %parallel_loop3A_558 : i32
      %parallel_loop3A_560 = tpu.assume_multiple %parallel_loop3A_559, 16 : i32
      %parallel_loop3A_561 = arith.index_cast %parallel_loop3A_555 : i32 to index
      %parallel_loop3A_562 = arith.index_cast %parallel_loop3A_560 : i32 to index
      %parallel_loop3A_563 = tpu.vector_load %arg6[%parallel_loop3A_561, %parallel_loop3A_562] {strides = array<i32>} : memref<16x1024xf32, #tpu.memory_space<vmem>>, vector<1x16xf32>,
      %parallel_loop3A_564 = vector.shape_cast %parallel_loop3A_563 : vector<1x16xf32> to vector<16xf32>
      %parallel_loop3A_565 = arith.constant 0 : i32
      %parallel_loop3A_566 = arith.addi %parallel_loop3A_565, %parallel_loop3A_555 : i32
      %parallel_loop3A_567 = arith.index_cast %parallel_loop3A_566 : i32 to index
      %parallel_loop3A_568 = arith.index_cast %parallel_loop3A_560 : i32 to index
      %parallel_loop3A_569 = tpu.vector_load %arg5[%parallel_loop3A_567, %parallel_loop3A_568] {strides = array<i32>} : memref<64x1024xf32, #tpu.memory_space<vmem>>, vector<1x16xf32>,
      %parallel_loop3A_570 = vector.shape_cast %parallel_loop3A_569 : vector<1x16xf32> to vector<16xf32>
      %parallel_loop3A_571 = arith.addf %parallel_loop3A_564, %parallel_loop3A_570 : vector<16xf32>
      %parallel_loop3A_572 = arith.index_cast %parallel_loop3A_555 : i32 to index
      %parallel_loop3A_573 = arith.index_cast %parallel_loop3A_560 : i32 to index
      %parallel_loop3A_574 = tpu.vector_load %arg6[%parallel_loop3A_572, %parallel_loop3A_573] {strides = array<i32>} : memref<16x1024xf32, #tpu.memory_space<vmem>>, vector<1x16xf32>,
      %parallel_loop3A_575 = vector.shape_cast %parallel_loop3A_574 : vector<1x16xf32> to vector<16xf32>
      %parallel_loop3A_576 = vector.shape_cast %parallel_loop3A_571 : vector<16xf32> to vector<1x16xf32>
      tpu.vector_store %arg6[%parallel_loop3A_572, %parallel_loop3A_573], %parallel_loop3A_576 {strides = array<i32>} : memref<16x1024xf32, #tpu.memory_space<vmem>>, vector<1x16xf32>,
    } {sc.loop_unroll_factor = 8 : i64, sc.parallel_access}
    %add3A_441 = arith.constant 0 : i32
    %add3A_442 = arith.addi %mul3A_2, %add3A_441 : i32
    %dma_start3A_443 = arith.constant 3 : i32
    %dma_start3A_444 = arith.constant 0 : i32
    %dma_start3A_445 = tpu.memref_slice %arg4[%dma_start3A_443, %add3A_442, %dma_start3A_444] : memref<4x2048x1024xf32, #tpu.memory_space<hbm>> -> memref<1x16x1024xf32, #tpu.memory_space<hbm>>
    %dma_start3A_446 = tpu.memref_squeeze %dma_start3A_445 : memref<1x16x1024xf32, #tpu.memory_space<hbm>> -> memref<16x1024xf32, #tpu.memory_space<hbm>>
    %dma_start3A_447 = arith.constant 0 : i32
    %dma_start3A_448 = tpu.memref_slice %arg4[%dma_start3A_443, %add3A_442, %dma_start3A_447] : memref<4x2048x1024xf32, #tpu.memory_space<hbm>> -> memref<1x16x1024xf32, #tpu.memory_space<hbm>>
    %dma_start3A_449 = tpu.memref_squeeze %dma_start3A_448 : memref<1x16x1024xf32, #tpu.memory_space<hbm>> -> memref<16x1024xf32, #tpu.memory_space<hbm>>
    tpu.enqueue_dma source(%arg6 : memref<16x1024xf32, #tpu.memory_space<vmem>>) target(%dma_start3A_449 : memref<16x1024xf32, #tpu.memory_space<hbm>>) target_semaphore(%arg12 : memref<!tpu.dma_semaphore, #tpu.memory_space<semaphore_mem>>)
    %dma_wait3A_450 = arith.constant 2 : i32
    %dma_wait3A_451 = arith.constant 0 : i32
    %dma_wait3A_452 = tpu.memref_slice %arg4[%dma_wait3A_450, %add3A_407, %dma_wait3A_451] : memref<4x2048x1024xf32, #tpu.memory_space<hbm>> -> memref<1x16x1024xf32, #tpu.memory_space<hbm>>
    %dma_wait3A_453 = tpu.memref_squeeze %dma_wait3A_452 : memref<1x16x1024xf32, #tpu.memory_space<hbm>> -> memref<16x1024xf32, #tpu.memory_space<hbm>>
    %dma_wait3A_454 = arith.constant 0 : i32
    %dma_wait3A_455 = tpu.memref_slice %arg4[%dma_wait3A_450, %add3A_407, %dma_wait3A_454] : memref<4x2048x1024xf32, #tpu.memory_space<hbm>> -> memref<1x16x1024xf32, #tpu.memory_space<hbm>>
    %dma_wait3A_456 = tpu.memref_squeeze %dma_wait3A_455 : memref<1x16x1024xf32, #tpu.memory_space<hbm>> -> memref<16x1024xf32, #tpu.memory_space<hbm>>
    tpu.wait_dma2 semaphore(%arg14 : memref<!tpu.dma_semaphore, #tpu.memory_space<semaphore_mem>>) src(%arg8 : memref<16x1024xf32, #tpu.memory_space<vmem>>) dst(%dma_wait3A_456 : memref<16x1024xf32, #tpu.memory_space<hbm>>)
    %add3A_457 = arith.constant 32 : i32
    %add3A_458 = arith.addi %mul3A_2, %add3A_457 : i32
    %dma_start3A_459 = arith.constant 3 : i32
    %dma_start3A_460 = arith.constant 0 : i32
    %dma_start3A_461 = tpu.memref_slice %arg2[%dma_start3A_459, %add3A_458, %dma_start3A_460] : memref<4x2048x1024xf32, #tpu.memory_space<hbm>> -> memref<1x16x1024xf32, #tpu.memory_space<hbm>>
    %dma_start3A_462 = tpu.memref_squeeze %dma_start3A_461 : memref<1x16x1024xf32, #tpu.memory_space<hbm>> -> memref<16x1024xf32, #tpu.memory_space<hbm>>
    %dma_start3A_463 = arith.constant 0 : i32
    %dma_start3A_464 = tpu.memref_slice %arg2[%dma_start3A_459, %add3A_458, %dma_start3A_463] : memref<4x2048x1024xf32, #tpu.memory_space<hbm>> -> memref<1x16x1024xf32, #tpu.memory_space<hbm>>
    %dma_start3A_465 = tpu.memref_squeeze %dma_start3A_464 : memref<1x16x1024xf32, #tpu.memory_space<hbm>> -> memref<16x1024xf32, #tpu.memory_space<hbm>>
    tpu.enqueue_dma source(%dma_start3A_465 : memref<16x1024xf32, #tpu.memory_space<hbm>>) target(%arg8 : memref<16x1024xf32, #tpu.memory_space<vmem>>) target_semaphore(%arg11 : memref<!tpu.dma_semaphore, #tpu.memory_space<semaphore_mem>>)
    %dma_wait3A_466 = arith.constant 3 : i32
    %dma_wait3A_467 = arith.constant 0 : i32
    %dma_wait3A_468 = tpu.memref_slice %arg2[%dma_wait3A_466, %add3A_423, %dma_wait3A_467] : memref<4x2048x1024xf32, #tpu.memory_space<hbm>> -> memref<1x16x1024xf32, #tpu.memory_space<hbm>>
    %dma_wait3A_469 = tpu.memref_squeeze %dma_wait3A_468 : memref<1x16x1024xf32, #tpu.memory_space<hbm>> -> memref<16x1024xf32, #tpu.memory_space<hbm>>
    %dma_wait3A_470 = arith.constant 0 : i32
    %dma_wait3A_471 = tpu.memref_slice %arg2[%dma_wait3A_466, %add3A_423, %dma_wait3A_470] : memref<4x2048x1024xf32, #tpu.memory_space<hbm>> -> memref<1x16x1024xf32, #tpu.memory_space<hbm>>
    %dma_wait3A_472 = tpu.memref_squeeze %dma_wait3A_471 : memref<1x16x1024xf32, #tpu.memory_space<hbm>> -> memref<16x1024xf32, #tpu.memory_space<hbm>>
    tpu.wait_dma2 semaphore(%arg10 : memref<!tpu.dma_semaphore, #tpu.memory_space<semaphore_mem>>) src(%dma_wait3A_472 : memref<16x1024xf32, #tpu.memory_space<hbm>>) dst(%arg7 : memref<16x1024xf32, #tpu.memory_space<vmem>>)
    %parallel_loop3A_473 = arith.constant 0 : i32
    %parallel_loop3A_474 = arith.constant 1024 : i32
    %parallel_loop3A_475 = arith.constant 1 : i32
    scf.for %parallel_loop3A_553 = %parallel_loop3A_473 to %parallel_loop3A_474 step %parallel_loop3A_475  : i32 {
      %parallel_loop3A_554 = arith.constant 6 : i32
      %parallel_loop3A_555 = arith.shrsi %parallel_loop3A_553, %parallel_loop3A_554 : i32
      %parallel_loop3A_556 = arith.constant 63 : i32
      %parallel_loop3A_557 = arith.andi %parallel_loop3A_553, %parallel_loop3A_556 : i32
      %parallel_loop3A_558 = arith.constant 4 : i32
      %parallel_loop3A_559 = arith.shli %parallel_loop3A_557, %parallel_loop3A_558 : i32
      %parallel_loop3A_560 = tpu.assume_multiple %parallel_loop3A_559, 16 : i32
      %parallel_loop3A_561 = arith.index_cast %parallel_loop3A_555 : i32 to index
      %parallel_loop3A_562 = arith.index_cast %parallel_loop3A_560 : i32 to index
      %parallel_loop3A_563 = tpu.vector_load %arg7[%parallel_loop3A_561, %parallel_loop3A_562] {strides = array<i32>} : memref<16x1024xf32, #tpu.memory_space<vmem>>, vector<1x16xf32>,
      %parallel_loop3A_564 = vector.shape_cast %parallel_loop3A_563 : vector<1x16xf32> to vector<16xf32>
      %parallel_loop3A_565 = arith.constant 16 : i32
      %parallel_loop3A_566 = arith.addi %parallel_loop3A_565, %parallel_loop3A_555 : i32
      %parallel_loop3A_567 = arith.index_cast %parallel_loop3A_566 : i32 to index
      %parallel_loop3A_568 = arith.index_cast %parallel_loop3A_560 : i32 to index
      %parallel_loop3A_569 = tpu.vector_load %arg5[%parallel_loop3A_567, %parallel_loop3A_568] {strides = array<i32>} : memref<64x1024xf32, #tpu.memory_space<vmem>>, vector<1x16xf32>,
      %parallel_loop3A_570 = vector.shape_cast %parallel_loop3A_569 : vector<1x16xf32> to vector<16xf32>
      %parallel_loop3A_571 = arith.addf %parallel_loop3A_564, %parallel_loop3A_570 : vector<16xf32>
      %parallel_loop3A_572 = arith.index_cast %parallel_loop3A_555 : i32 to index
      %parallel_loop3A_573 = arith.index_cast %parallel_loop3A_560 : i32 to index
      %parallel_loop3A_574 = tpu.vector_load %arg7[%parallel_loop3A_572, %parallel_loop3A_573] {strides = array<i32>} : memref<16x1024xf32, #tpu.memory_space<vmem>>, vector<1x16xf32>,
      %parallel_loop3A_575 = vector.shape_cast %parallel_loop3A_574 : vector<1x16xf32> to vector<16xf32>
      %parallel_loop3A_576 = vector.shape_cast %parallel_loop3A_571 : vector<16xf32> to vector<1x16xf32>
      tpu.vector_store %arg7[%parallel_loop3A_572, %parallel_loop3A_573], %parallel_loop3A_576 {strides = array<i32>} : memref<16x1024xf32, #tpu.memory_space<vmem>>, vector<1x16xf32>,
    } {sc.loop_unroll_factor = 8 : i64, sc.parallel_access}
    %add3A_476 = arith.constant 16 : i32
    %add3A_477 = arith.addi %mul3A_2, %add3A_476 : i32
    %dma_start3A_478 = arith.constant 3 : i32
    %dma_start3A_479 = arith.constant 0 : i32
    %dma_start3A_480 = tpu.memref_slice %arg4[%dma_start3A_478, %add3A_477, %dma_start3A_479] : memref<4x2048x1024xf32, #tpu.memory_space<hbm>> -> memref<1x16x1024xf32, #tpu.memory_space<hbm>>
    %dma_start3A_481 = tpu.memref_squeeze %dma_start3A_480 : memref<1x16x1024xf32, #tpu.memory_space<hbm>> -> memref<16x1024xf32, #tpu.memory_space<hbm>>
    %dma_start3A_482 = arith.constant 0 : i32
    %dma_start3A_483 = tpu.memref_slice %arg4[%dma_start3A_478, %add3A_477, %dma_start3A_482] : memref<4x2048x1024xf32, #tpu.memory_space<hbm>> -> memref<1x16x1024xf32, #tpu.memory_space<hbm>>
    %dma_start3A_484 = tpu.memref_squeeze %dma_start3A_483 : memref<1x16x1024xf32, #tpu.memory_space<hbm>> -> memref<16x1024xf32, #tpu.memory_space<hbm>>
    tpu.enqueue_dma source(%arg7 : memref<16x1024xf32, #tpu.memory_space<vmem>>) target(%dma_start3A_484 : memref<16x1024xf32, #tpu.memory_space<hbm>>) target_semaphore(%arg13 : memref<!tpu.dma_semaphore, #tpu.memory_space<semaphore_mem>>)
    %dma_wait3A_485 = arith.constant 3 : i32
    %dma_wait3A_486 = arith.constant 0 : i32
    %dma_wait3A_487 = tpu.memref_slice %arg4[%dma_wait3A_485, %add3A_442, %dma_wait3A_486] : memref<4x2048x1024xf32, #tpu.memory_space<hbm>> -> memref<1x16x1024xf32, #tpu.memory_space<hbm>>
    %dma_wait3A_488 = tpu.memref_squeeze %dma_wait3A_487 : memref<1x16x1024xf32, #tpu.memory_space<hbm>> -> memref<16x1024xf32, #tpu.memory_space<hbm>>
    %dma_wait3A_489 = arith.constant 0 : i32
    %dma_wait3A_490 = tpu.memref_slice %arg4[%dma_wait3A_485, %add3A_442, %dma_wait3A_489] : memref<4x2048x1024xf32, #tpu.memory_space<hbm>> -> memref<1x16x1024xf32, #tpu.memory_space<hbm>>
    %dma_wait3A_491 = tpu.memref_squeeze %dma_wait3A_490 : memref<1x16x1024xf32, #tpu.memory_space<hbm>> -> memref<16x1024xf32, #tpu.memory_space<hbm>>
    tpu.wait_dma2 semaphore(%arg12 : memref<!tpu.dma_semaphore, #tpu.memory_space<semaphore_mem>>) src(%arg6 : memref<16x1024xf32, #tpu.memory_space<vmem>>) dst(%dma_wait3A_491 : memref<16x1024xf32, #tpu.memory_space<hbm>>)
    %add3A_492 = arith.constant 48 : i32
    %add3A_493 = arith.addi %mul3A_2, %add3A_492 : i32
    %dma_start3A_494 = arith.constant 3 : i32
    %dma_start3A_495 = arith.constant 0 : i32
    %dma_start3A_496 = tpu.memref_slice %arg2[%dma_start3A_494, %add3A_493, %dma_start3A_495] : memref<4x2048x1024xf32, #tpu.memory_space<hbm>> -> memref<1x16x1024xf32, #tpu.memory_space<hbm>>
    %dma_start3A_497 = tpu.memref_squeeze %dma_start3A_496 : memref<1x16x1024xf32, #tpu.memory_space<hbm>> -> memref<16x1024xf32, #tpu.memory_space<hbm>>
    %dma_start3A_498 = arith.constant 0 : i32
    %dma_start3A_499 = tpu.memref_slice %arg2[%dma_start3A_494, %add3A_493, %dma_start3A_498] : memref<4x2048x1024xf32, #tpu.memory_space<hbm>> -> memref<1x16x1024xf32, #tpu.memory_space<hbm>>
    %dma_start3A_500 = tpu.memref_squeeze %dma_start3A_499 : memref<1x16x1024xf32, #tpu.memory_space<hbm>> -> memref<16x1024xf32, #tpu.memory_space<hbm>>
    tpu.enqueue_dma source(%dma_start3A_500 : memref<16x1024xf32, #tpu.memory_space<hbm>>) target(%arg6 : memref<16x1024xf32, #tpu.memory_space<vmem>>) target_semaphore(%arg9 : memref<!tpu.dma_semaphore, #tpu.memory_space<semaphore_mem>>)
    %dma_wait3A_501 = arith.constant 3 : i32
    %dma_wait3A_502 = arith.constant 0 : i32
    %dma_wait3A_503 = tpu.memref_slice %arg2[%dma_wait3A_501, %add3A_458, %dma_wait3A_502] : memref<4x2048x1024xf32, #tpu.memory_space<hbm>> -> memref<1x16x1024xf32, #tpu.memory_space<hbm>>
    %dma_wait3A_504 = tpu.memref_squeeze %dma_wait3A_503 : memref<1x16x1024xf32, #tpu.memory_space<hbm>> -> memref<16x1024xf32, #tpu.memory_space<hbm>>
    %dma_wait3A_505 = arith.constant 0 : i32
    %dma_wait3A_506 = tpu.memref_slice %arg2[%dma_wait3A_501, %add3A_458, %dma_wait3A_505] : memref<4x2048x1024xf32, #tpu.memory_space<hbm>> -> memref<1x16x1024xf32, #tpu.memory_space<hbm>>
    %dma_wait3A_507 = tpu.memref_squeeze %dma_wait3A_506 : memref<1x16x1024xf32, #tpu.memory_space<hbm>> -> memref<16x1024xf32, #tpu.memory_space<hbm>>
    tpu.wait_dma2 semaphore(%arg11 : memref<!tpu.dma_semaphore, #tpu.memory_space<semaphore_mem>>) src(%dma_wait3A_507 : memref<16x1024xf32, #tpu.memory_space<hbm>>) dst(%arg8 : memref<16x1024xf32, #tpu.memory_space<vmem>>)
    %parallel_loop3A_508 = arith.constant 0 : i32
    %parallel_loop3A_509 = arith.constant 1024 : i32
    %parallel_loop3A_510 = arith.constant 1 : i32
    scf.for %parallel_loop3A_553 = %parallel_loop3A_508 to %parallel_loop3A_509 step %parallel_loop3A_510  : i32 {
      %parallel_loop3A_554 = arith.constant 6 : i32
      %parallel_loop3A_555 = arith.shrsi %parallel_loop3A_553, %parallel_loop3A_554 : i32
      %parallel_loop3A_556 = arith.constant 63 : i32
      %parallel_loop3A_557 = arith.andi %parallel_loop3A_553, %parallel_loop3A_556 : i32
      %parallel_loop3A_558 = arith.constant 4 : i32
      %parallel_loop3A_559 = arith.shli %parallel_loop3A_557, %parallel_loop3A_558 : i32
      %parallel_loop3A_560 = tpu.assume_multiple %parallel_loop3A_559, 16 : i32
      %parallel_loop3A_561 = arith.index_cast %parallel_loop3A_555 : i32 to index
      %parallel_loop3A_562 = arith.index_cast %parallel_loop3A_560 : i32 to index
      %parallel_loop3A_563 = tpu.vector_load %arg8[%parallel_loop3A_561, %parallel_loop3A_562] {strides = array<i32>} : memref<16x1024xf32, #tpu.memory_space<vmem>>, vector<1x16xf32>,
      %parallel_loop3A_564 = vector.shape_cast %parallel_loop3A_563 : vector<1x16xf32> to vector<16xf32>
      %parallel_loop3A_565 = arith.constant 32 : i32
      %parallel_loop3A_566 = arith.addi %parallel_loop3A_565, %parallel_loop3A_555 : i32
      %parallel_loop3A_567 = arith.index_cast %parallel_loop3A_566 : i32 to index
      %parallel_loop3A_568 = arith.index_cast %parallel_loop3A_560 : i32 to index
      %parallel_loop3A_569 = tpu.vector_load %arg5[%parallel_loop3A_567, %parallel_loop3A_568] {strides = array<i32>} : memref<64x1024xf32, #tpu.memory_space<vmem>>, vector<1x16xf32>,
      %parallel_loop3A_570 = vector.shape_cast %parallel_loop3A_569 : vector<1x16xf32> to vector<16xf32>
      %parallel_loop3A_571 = arith.addf %parallel_loop3A_564, %parallel_loop3A_570 : vector<16xf32>
      %parallel_loop3A_572 = arith.index_cast %parallel_loop3A_555 : i32 to index
      %parallel_loop3A_573 = arith.index_cast %parallel_loop3A_560 : i32 to index
      %parallel_loop3A_574 = tpu.vector_load %arg8[%parallel_loop3A_572, %parallel_loop3A_573] {strides = array<i32>} : memref<16x1024xf32, #tpu.memory_space<vmem>>, vector<1x16xf32>,
      %parallel_loop3A_575 = vector.shape_cast %parallel_loop3A_574 : vector<1x16xf32> to vector<16xf32>
      %parallel_loop3A_576 = vector.shape_cast %parallel_loop3A_571 : vector<16xf32> to vector<1x16xf32>
      tpu.vector_store %arg8[%parallel_loop3A_572, %parallel_loop3A_573], %parallel_loop3A_576 {strides = array<i32>} : memref<16x1024xf32, #tpu.memory_space<vmem>>, vector<1x16xf32>,
    } {sc.loop_unroll_factor = 8 : i64, sc.parallel_access}
    %add3A_511 = arith.constant 32 : i32
    %add3A_512 = arith.addi %mul3A_2, %add3A_511 : i32
    %dma_start3A_513 = arith.constant 3 : i32
    %dma_start3A_514 = arith.constant 0 : i32
    %dma_start3A_515 = tpu.memref_slice %arg4[%dma_start3A_513, %add3A_512, %dma_start3A_514] : memref<4x2048x1024xf32, #tpu.memory_space<hbm>> -> memref<1x16x1024xf32, #tpu.memory_space<hbm>>
    %dma_start3A_516 = tpu.memref_squeeze %dma_start3A_515 : memref<1x16x1024xf32, #tpu.memory_space<hbm>> -> memref<16x1024xf32, #tpu.memory_space<hbm>>
    %dma_start3A_517 = arith.constant 0 : i32
    %dma_start3A_518 = tpu.memref_slice %arg4[%dma_start3A_513, %add3A_512, %dma_start3A_517] : memref<4x2048x1024xf32, #tpu.memory_space<hbm>> -> memref<1x16x1024xf32, #tpu.memory_space<hbm>>
    %dma_start3A_519 = tpu.memref_squeeze %dma_start3A_518 : memref<1x16x1024xf32, #tpu.memory_space<hbm>> -> memref<16x1024xf32, #tpu.memory_space<hbm>>
    tpu.enqueue_dma source(%arg8 : memref<16x1024xf32, #tpu.memory_space<vmem>>) target(%dma_start3A_519 : memref<16x1024xf32, #tpu.memory_space<hbm>>) target_semaphore(%arg14 : memref<!tpu.dma_semaphore, #tpu.memory_space<semaphore_mem>>)
    %dma_wait3A_520 = arith.constant 3 : i32
    %dma_wait3A_521 = arith.constant 0 : i32
    %dma_wait3A_522 = tpu.memref_slice %arg2[%dma_wait3A_520, %add3A_493, %dma_wait3A_521] : memref<4x2048x1024xf32, #tpu.memory_space<hbm>> -> memref<1x16x1024xf32, #tpu.memory_space<hbm>>
    %dma_wait3A_523 = tpu.memref_squeeze %dma_wait3A_522 : memref<1x16x1024xf32, #tpu.memory_space<hbm>> -> memref<16x1024xf32, #tpu.memory_space<hbm>>
    %dma_wait3A_524 = arith.constant 0 : i32
    %dma_wait3A_525 = tpu.memref_slice %arg2[%dma_wait3A_520, %add3A_493, %dma_wait3A_524] : memref<4x2048x1024xf32, #tpu.memory_space<hbm>> -> memref<1x16x1024xf32, #tpu.memory_space<hbm>>
    %dma_wait3A_526 = tpu.memref_squeeze %dma_wait3A_525 : memref<1x16x1024xf32, #tpu.memory_space<hbm>> -> memref<16x1024xf32, #tpu.memory_space<hbm>>
    tpu.wait_dma2 semaphore(%arg9 : memref<!tpu.dma_semaphore, #tpu.memory_space<semaphore_mem>>) src(%dma_wait3A_526 : memref<16x1024xf32, #tpu.memory_space<hbm>>) dst(%arg6 : memref<16x1024xf32, #tpu.memory_space<vmem>>)
    %parallel_loop3A_527 = arith.constant 0 : i32
    %parallel_loop3A_528 = arith.constant 1024 : i32
    %parallel_loop3A_529 = arith.constant 1 : i32
    scf.for %parallel_loop3A_553 = %parallel_loop3A_527 to %parallel_loop3A_528 step %parallel_loop3A_529  : i32 {
      %parallel_loop3A_554 = arith.constant 6 : i32
      %parallel_loop3A_555 = arith.shrsi %parallel_loop3A_553, %parallel_loop3A_554 : i32
      %parallel_loop3A_556 = arith.constant 63 : i32
      %parallel_loop3A_557 = arith.andi %parallel_loop3A_553, %parallel_loop3A_556 : i32
      %parallel_loop3A_558 = arith.constant 4 : i32
      %parallel_loop3A_559 = arith.shli %parallel_loop3A_557, %parallel_loop3A_558 : i32
      %parallel_loop3A_560 = tpu.assume_multiple %parallel_loop3A_559, 16 : i32
      %parallel_loop3A_561 = arith.index_cast %parallel_loop3A_555 : i32 to index
      %parallel_loop3A_562 = arith.index_cast %parallel_loop3A_560 : i32 to index
      %parallel_loop3A_563 = tpu.vector_load %arg6[%parallel_loop3A_561, %parallel_loop3A_562] {strides = array<i32>} : memref<16x1024xf32, #tpu.memory_space<vmem>>, vector<1x16xf32>,
      %parallel_loop3A_564 = vector.shape_cast %parallel_loop3A_563 : vector<1x16xf32> to vector<16xf32>
      %parallel_loop3A_565 = arith.constant 48 : i32
      %parallel_loop3A_566 = arith.addi %parallel_loop3A_565, %parallel_loop3A_555 : i32
      %parallel_loop3A_567 = arith.index_cast %parallel_loop3A_566 : i32 to index
      %parallel_loop3A_568 = arith.index_cast %parallel_loop3A_560 : i32 to index
      %parallel_loop3A_569 = tpu.vector_load %arg5[%parallel_loop3A_567, %parallel_loop3A_568] {strides = array<i32>} : memref<64x1024xf32, #tpu.memory_space<vmem>>, vector<1x16xf32>,
      %parallel_loop3A_570 = vector.shape_cast %parallel_loop3A_569 : vector<1x16xf32> to vector<16xf32>
      %parallel_loop3A_571 = arith.addf %parallel_loop3A_564, %parallel_loop3A_570 : vector<16xf32>
      %parallel_loop3A_572 = arith.index_cast %parallel_loop3A_555 : i32 to index
      %parallel_loop3A_573 = arith.index_cast %parallel_loop3A_560 : i32 to index
      %parallel_loop3A_574 = tpu.vector_load %arg6[%parallel_loop3A_572, %parallel_loop3A_573] {strides = array<i32>} : memref<16x1024xf32, #tpu.memory_space<vmem>>, vector<1x16xf32>,
      %parallel_loop3A_575 = vector.shape_cast %parallel_loop3A_574 : vector<1x16xf32> to vector<16xf32>
      %parallel_loop3A_576 = vector.shape_cast %parallel_loop3A_571 : vector<16xf32> to vector<1x16xf32>
      tpu.vector_store %arg6[%parallel_loop3A_572, %parallel_loop3A_573], %parallel_loop3A_576 {strides = array<i32>} : memref<16x1024xf32, #tpu.memory_space<vmem>>, vector<1x16xf32>,
    } {sc.loop_unroll_factor = 8 : i64, sc.parallel_access}
    %add3A_530 = arith.constant 48 : i32
    %add3A_531 = arith.addi %mul3A_2, %add3A_530 : i32
    %dma_start3A_532 = arith.constant 3 : i32
    %dma_start3A_533 = arith.constant 0 : i32
    %dma_start3A_534 = tpu.memref_slice %arg4[%dma_start3A_532, %add3A_531, %dma_start3A_533] : memref<4x2048x1024xf32, #tpu.memory_space<hbm>> -> memref<1x16x1024xf32, #tpu.memory_space<hbm>>
    %dma_start3A_535 = tpu.memref_squeeze %dma_start3A_534 : memref<1x16x1024xf32, #tpu.memory_space<hbm>> -> memref<16x1024xf32, #tpu.memory_space<hbm>>
    %dma_start3A_536 = arith.constant 0 : i32
    %dma_start3A_537 = tpu.memref_slice %arg4[%dma_start3A_532, %add3A_531, %dma_start3A_536] : memref<4x2048x1024xf32, #tpu.memory_space<hbm>> -> memref<1x16x1024xf32, #tpu.memory_space<hbm>>
    %dma_start3A_538 = tpu.memref_squeeze %dma_start3A_537 : memref<1x16x1024xf32, #tpu.memory_space<hbm>> -> memref<16x1024xf32, #tpu.memory_space<hbm>>
    tpu.enqueue_dma source(%arg6 : memref<16x1024xf32, #tpu.memory_space<vmem>>) target(%dma_start3A_538 : memref<16x1024xf32, #tpu.memory_space<hbm>>) target_semaphore(%arg12 : memref<!tpu.dma_semaphore, #tpu.memory_space<semaphore_mem>>)
    %dma_wait3A_539 = arith.constant 3 : i32
    %dma_wait3A_540 = arith.constant 0 : i32
    %dma_wait3A_541 = tpu.memref_slice %arg4[%dma_wait3A_539, %add3A_512, %dma_wait3A_540] : memref<4x2048x1024xf32, #tpu.memory_space<hbm>> -> memref<1x16x1024xf32, #tpu.memory_space<hbm>>
    %dma_wait3A_542 = tpu.memref_squeeze %dma_wait3A_541 : memref<1x16x1024xf32, #tpu.memory_space<hbm>> -> memref<16x1024xf32, #tpu.memory_space<hbm>>
    %dma_wait3A_543 = arith.constant 0 : i32
    %dma_wait3A_544 = tpu.memref_slice %arg4[%dma_wait3A_539, %add3A_512, %dma_wait3A_543] : memref<4x2048x1024xf32, #tpu.memory_space<hbm>> -> memref<1x16x1024xf32, #tpu.memory_space<hbm>>
    %dma_wait3A_545 = tpu.memref_squeeze %dma_wait3A_544 : memref<1x16x1024xf32, #tpu.memory_space<hbm>> -> memref<16x1024xf32, #tpu.memory_space<hbm>>
    tpu.wait_dma2 semaphore(%arg14 : memref<!tpu.dma_semaphore, #tpu.memory_space<semaphore_mem>>) src(%arg8 : memref<16x1024xf32, #tpu.memory_space<vmem>>) dst(%dma_wait3A_545 : memref<16x1024xf32, #tpu.memory_space<hbm>>)
    %dma_wait3A_546 = arith.constant 3 : i32
    %dma_wait3A_547 = arith.constant 0 : i32
    %dma_wait3A_548 = tpu.memref_slice %arg4[%dma_wait3A_546, %add3A_531, %dma_wait3A_547] : memref<4x2048x1024xf32, #tpu.memory_space<hbm>> -> memref<1x16x1024xf32, #tpu.memory_space<hbm>>
    %dma_wait3A_549 = tpu.memref_squeeze %dma_wait3A_548 : memref<1x16x1024xf32, #tpu.memory_space<hbm>> -> memref<16x1024xf32, #tpu.memory_space<hbm>>
    %dma_wait3A_550 = arith.constant 0 : i32
    %dma_wait3A_551 = tpu.memref_slice %arg4[%dma_wait3A_546, %add3A_531, %dma_wait3A_550] : memref<4x2048x1024xf32, #tpu.memory_space<hbm>> -> memref<1x16x1024xf32, #tpu.memory_space<hbm>>
    %dma_wait3A_552 = tpu.memref_squeeze %dma_wait3A_551 : memref<1x16x1024xf32, #tpu.memory_space<hbm>> -> memref<16x1024xf32, #tpu.memory_space<hbm>>
    tpu.wait_dma2 semaphore(%arg12 : memref<!tpu.dma_semaphore, #tpu.memory_space<semaphore_mem>>) src(%arg6 : memref<16x1024xf32, #tpu.memory_space<vmem>>) dst(%dma_wait3A_552 : memref<16x1024xf32, #tpu.memory_space<hbm>>)
    return
  }
}

</mosaic_0001>

<sc_bundles>
// kernel: kernel.3.cloned.1.call-start
scs
__scs_entry_jumppad:
0x0: {  	(pc) =	sbr.rel $0x88, $3  }
0x1: {  	(tag) =	ssettag $0x0;
	lr =	simm.s32 $0x1  }
0x2: {  	[smem:$0x3F9F] =	sst lr;
	_ =	strace $0xD0000000  }
0x3: {  	_ = 	snop  }
0x4: {  	_ = 	snop  }
0x5: {  	_ = 	snop  }
0x6: {  	_ = 	snop  }
0x7: {  	_ = 	snop  }
__scs_overlays_trampoline_lowered:
0x8: {  	[smem:$0x3FAE] =	sst s0  }
0x9: {  	[smem:$0x3FAF] =	sst s1  }
0xa: {  	[smem:$0x3FB0] =	sst s2  }
0xb: {  	[smem:$0x3FB1] =	sst s3  }
0xc: {  	[smem:$0x3FB2] =	sst s4  }
0xd: {  	[smem:$0x3FB3] =	sst s5  }
0xe: {  	[smem:$0x3FB4] =	sst s6  }
0xf: {  	[smem:$0x3FB5] =	sst s7  }
0x10: {  	[smem:$0x3FB6] =	sst s8  }
0x11: {  	[smem:$0x3FB7] =	sst s9;
	s0 =	simm.s32 @!p0 $0x0  }
0x12: {  	s1 =	sld [smem:$0x3F9D];
	s0 =	simm.s32 @p0 $0x1  }
0x13: {  	[smem:$0x3FB8] =	sst s0;
	s0 =	simm.s32 @!p1 $0x0  }
0x14: {  	s2 =	sld [smem:$0x3F9C];
	s0 =	simm.s32 @p1 $0x1  }
0x15: {  	[smem:$0x3FB9] =	sst s0;
	s0 =	simm.s32 @!p2 $0x0  }
0x16: {  	s3 =	sld [smem:$0x3FDB];
	s0 =	simm.s32 @p2 $0x1  }
0x17: {  	s4 =	simm.s32 $0x1BF5;
	[smem:$0x3FBB] =	sst s0  }
0x18: {  	s0 =	sld [smem:$0x3F9E];
	_ =	swait.ge [sflag:s4], $0x0  }
0x19: {  	s7 =	sld [smem:$0x3F9F]  }
0x1a: {  	s8 =	sadd.s32 $0xFFFFE003, lr  }
0x1b: {  	s9 =	sadd.s32 $0xFFFFFEF7, lr;
	s5 =	simm.s32 $0xFFFFFFFF;
	p2 =	slt.u32 s8, $0xFFFFF086  }
0x1c: {  	p1 =	slt.u32 s9, $0xF7A;
	s5 =	simm.s32 @!p2 $0x0  }
0x1d: {  	s5 =	simm.s32 @p1 $0x1;
	p0 =	seq.s32 s7, s2  }
0x1e: {  	s7 =	smul.u32 @!p0 $0xF7A, s2;
	p2 =	seq.s32 @!p0 s5, $0x0  }
0x1f: {  	s9 =	smul.u32 $0xF7A, s1;
	s8 =	simm.s32 @!p0 $0x1BF5;
	p2 =	por !p2, p0  }
0x20: {  	[sflag:s8] =	ssyncset.s32 @!p0 $0xFFFFF086;
	s6 =	sadd.s32 @!p0 s3, s7;
	s7 =	simm.s32 @!p0 $0x108  }
0x21: {  	s3 =	sadd.s32 s3, s9;
	s6 =	sadd.s32 @!p0 $0x88, s6;
	s7 =	simm.s32 @p2 $0x1082  }
0x22: {  	[simem:s7], [sflag:s8] =	dma.local @!p0 [hbm:s6], $0xF7A  }
0x23: {  	s9 =	sor.u32 $0xD0000000, s2;
	s6 =	simm.s32 $0x108;
	_ =	swait.ge @!p0 [sflag:s8], $0x0  }
0x24: {  	s3 =	sadd.s32 $0x88, s3;
	s6 =	simm.s32 @!p1 $0x1082;
	[sflag:s4] =	ssyncset.s32 $0xFFFFF086  }
0x25: {  	[simem:s6], [sflag:s4] =	dma.local [hbm:s3], $0xF7A  }
0x26: {  	[smem:$0x3F9F] =	sst s1;
	(tag) =	ssettag s2;
	_ =	strace s9  }
0x27: {  	s1 =	sld [smem:$0x3FAF]  }
0x28: {  	s2 =	sld [smem:$0x3FB0]  }
0x29: {  	s4 =	sld [smem:$0x3FB2]  }
0x2a: {  	p0 =	seq.s32 s5, $0x0;
	s5 =	sld [smem:$0x3FB3]  }
0x2b: {  	s6 =	sld [smem:$0x3FB4]  }
0x2c: {  	s7 =	sld [smem:$0x3FB5]  }
0x2d: {  	s3 =	simm.s32 $0x108;
	s8 =	sld [smem:$0x3FB6]  }
0x2e: {  	s3 =	simm.s32 @!p0 $0x1082;
	s9 =	sld [smem:$0x3FB7]  }
0x2f: {  	lr =	sadd.s32 s0, s3;
	s0 =	sld [smem:$0x3FAE]  }
0x30: {  	s3 =	sld [smem:$0x3FB1]  }
0x31: {  	[smem:$0x3FBA] =	sst s10  }
0x32: {  	s10 =	sld [smem:$0x3FB8];
	_ =	sdelay $0x3  }
0x33: {  	p0 =	seq.s32 s10, $0x1;
	s10 =	sld [smem:$0x3FBA];
	_ =	sdelay $0x3  }
0x34: {  	[smem:$0x3FBA] =	sst s10  }
0x35: {  	s10 =	sld [smem:$0x3FB9];
	_ =	sdelay $0x3  }
0x36: {  	p1 =	seq.s32 s10, $0x1;
	s10 =	sld [smem:$0x3FBA];
	_ =	sdelay $0x3  }
0x37: {  	[smem:$0x3FBA] =	sst s10  }
0x38: {  	s10 =	sld [smem:$0x3FBB]  }
0x39: {  	_ = 	snop;
	(pc) =	sbr.ind lr, $3  }
0x3a: {  	_ = 	snop  }
0x3b: {  	_ = 	snop  }
0x3c: {  	p2 =	seq.s32 s10, $0x1;
	s10 =	sld [smem:$0x3FBA]  }
0x3d: {  	_ =	shalt  }
0x3e: {  	_ =	shalt  }
0x3f: {  	_ =	shalt  }
0x40: {  	_ =	shalt  }
0x41: {  	_ =	shalt  }
0x42: {  	_ =	shalt  }
0x43: {  	_ =	shalt  }
0x44: {  	_ =	shalt  }
0x45: {  	_ =	shalt  }
0x46: {  	_ =	shalt  }
0x47: {  	_ =	shalt  }
0x48: {  	_ =	shalt  }
0x49: {  	_ =	shalt  }
0x4a: {  	_ =	shalt  }
0x4b: {  	_ =	shalt  }
0x4c: {  	_ =	shalt  }
0x4d: {  	_ =	shalt  }
0x4e: {  	_ =	shalt  }
0x4f: {  	_ =	shalt  }
0x50: {  	_ =	shalt  }
0x51: {  	_ =	shalt  }
0x52: {  	_ =	shalt  }
0x53: {  	_ =	shalt  }
0x54: {  	_ =	shalt  }
0x55: {  	_ =	shalt  }
0x56: {  	_ =	shalt  }
0x57: {  	_ =	shalt  }
0x58: {  	_ =	shalt  }
0x59: {  	_ =	shalt  }
0x5a: {  	_ =	shalt  }
0x5b: {  	_ =	shalt  }
0x5c: {  	_ =	shalt  }
0x5d: {  	_ =	shalt  }
0x5e: {  	_ =	shalt  }
0x5f: {  	_ =	shalt  }
0x60: {  	_ =	shalt  }
0x61: {  	_ =	shalt  }
0x62: {  	_ =	shalt  }
0x63: {  	_ =	shalt  }
0x64: {  	_ =	shalt  }
0x65: {  	_ =	shalt  }
0x66: {  	_ =	shalt  }
0x67: {  	_ =	shalt  }
0x68: {  	_ =	shalt  }
0x69: {  	_ =	shalt  }
0x6a: {  	_ =	shalt  }
0x6b: {  	_ =	shalt  }
0x6c: {  	_ =	shalt  }
0x6d: {  	_ =	shalt  }
0x6e: {  	_ =	shalt  }
0x6f: {  	_ =	shalt  }
0x70: {  	_ =	shalt  }
0x71: {  	_ =	shalt  }
0x72: {  	_ =	shalt  }
0x73: {  	_ =	shalt  }
0x74: {  	_ =	shalt  }
0x75: {  	_ =	shalt  }
0x76: {  	_ =	shalt  }
0x77: {  	_ =	shalt  }
0x78: {  	_ =	shalt  }
0x79: {  	_ =	shalt  }
0x7a: {  	_ =	shalt  }
0x7b: {  	_ =	shalt  }
0x7c: {  	_ =	shalt  }
0x7d: {  	_ =	shalt  }
0x7e: {  	_ =	shalt  }
0x7f: {  	_ =	shalt  }
0x80: {  	_ =	shalt  }
0x81: {  	_ =	shalt  }
0x82: {  	_ =	shalt  }
0x83: {  	_ =	shalt  }
0x84: {  	_ =	shalt  }
0x85: {  	_ =	shalt  }
0x86: {  	_ =	shalt  }
0x87: {  	_ =	shalt  }
.Lfunc_end0:
.L_simem_size_0:
called_computation_lowered:
.L_overlay_start_0:
0x88: {  	s2 =	sld [smem:$0x3FD9]  }
0x89: {  	s3 =	sld [smem:$0x3FFE];
	_ =	sdelay $0x1  }
0x8a: {  	s1 =	srdreg.scid  }
0x8b: {  	s0 =	sand.u32 $0x1, s1  }
0x8c: {  	s18 =	sshll.u32 s0, $0xA;
	s2 =	sadd.s32 s3, s2  }
0x8d: {  	s2 =	sadd.s32 s2, s18  }
0x8e: {  	[smem:$0x3FC6] =	sst s2  }
0x8f: {  	_ = 	snop  }
0x90: {  	s2 =	sld [smem:$0x3FC9]  }
0x91: {  	s19 =	sld [smem:$0x3FC8]  }
0x92: {  	s4 =	sld [smem:$0x3FD0];
	(tm) =	ssettm $0x1  }
0x93: {  	s5 =	sld [smem:$0x3FFB];
	_ =	sdelay $0x3  }
0x94: {  	_ =	strace s5  }
0x95: {  	s5 =	sld [smem:$0x3FFC];
	_ =	sdelay $0x3  }
0x96: {  	_ =	strace s5  }
0x97: {  	s5 =	sld [smem:$0x3FFD];
	_ =	sdelay $0x3  }
0x98: {  	_ =	strace s5  }
0x99: {  	_ =	strace $0x8FFFFFFF  }
0x9a: {  	s20 =	sld [smem:$0x3FDB];
	_ =	sdelay $0x1  }
0x9b: {  	s6 =	simm.s32 $_scs_section_size  }
0x9c: {  	s7 =	simm.s32 $_size__tile_overlayer_lowered;
	s8 =	simm.s32 $_tile_overlayer_lowered  }
0x9d: {  	s23 =	simm.s32 $0x1BFF;
	s22 =	sshll.u32 s8, $0x1;
	s5 =	sadd.s32 s6, s20  }
0x9e: {  	s9 =	simm.s32 $0x0;
	s21 =	sshll.u32 s7, $0x1;
	s7 =	sadd.s32 s22, s5  }
0x9f: {  	[timem:s9], [sflag:s23] =	dma.local [hbm:s7], s21  }
0xa0: {  	_ =	swait.ge [sflag:s23], s21  }
0xa1: {  	s6 =	ssub.s32 $0x0, s21;
	[sflag:s23] =	ssyncset.done $0x0  }
0xa2: {  	[sflag:s23] =	ssyncadd.s32 s6;
	_ =	sdelay $0x1  }
0xa3: {  	s24 =	simm.s32 $0x1B8B  }
0xa4: {  	_ =	swait.ge [sflag:s24], $0x1  }
0xa5: {  	[sflag:s24] =	ssyncset.done $0x0  }
0xa6: {  	s25 =	simm.s32 $0x1B8E;
	[sflag:s24] =	ssyncadd.s32 $0xFFFFFFFF  }
0xa7: {  	s26 =	simm.s32 $execute0_lowered;
	[smem:$0x3FD2] =	sst s25  }
0xa8: {  	s6 =	sshll.u32 s26, $0x1;
	_ =	strace $0x80000046;
	[dreg:$0x1] =	wrdreg $0xFFFFFFFF  }
0xa9: {  	s28 =	simm.s32 $_size_execute0_lowered;
	s5 =	sadd.s32 s5, s6;
	[dreg:$0x0] =	wrdreg $0x0  }
0xaa: {  	s6 =	sshll.u32 s28, $0x1;
	[dreg:$0x2] =	wrdreg s5  }
0xab: {  	[dreg:$0x3] =	wrdreg s6  }
0xac: {  	[dreg:$0x4] =	wrdreg $0xC0  }
0xad: {  	_ =	task [dreg:s9], $0x5FFFF  }
0xae: {  	[dreg:$0x1] =	wrdreg $0xFFFFFFFF  }
0xaf: {  	[dreg:$0x0] =	wrdreg $0x60  }
0xb0: {  	[dreg:$0x2] =	wrdreg s2  }
0xb1: {  	[dreg:$0x3] =	wrdreg s19  }
0xb2: {  	[dreg:$0x4] =	wrdreg s4  }
0xb3: {  	[dreg:$0x5] =	wrdreg $0x9  }
0xb4: {  	_ =	task.clear_ibuf [dreg:s9], $0x6FFFF;
	_ =	strace $0x90000046  }
0xb5: {  	s29 =	simm.s32 $0x9;
	_ =	strace $0x80000048  }
0xb6: {  	_ =	swait.ge [sflag:s29], $0x1  }
0xb7: {  	[sflag:s29] =	ssyncadd.s32 $0xFFFFFFFF  }
0xb8: {  	_ =	strace $0x90000048  }
0xb9: {  	_ =	sfence  }
0xba: {  	s30 =	sld [smem:$0x0];
	_ =	sdelay $0x2  }
0xbb: {  	s31 =	sshll.u32 s1, $0xD;
	s1 =	sshrl.u32 s1, $0x2  }
0xbc: {  	s3 =	sand.u32 $0x4000, s31;
	s1 =	sadd.s32 s1, s30  }
0xbd: {  	s0 =	sor.u32 s3, s0;
	s1 =	sshll.u32 s1, $0x11  }
0xbe: {  	s0 =	sor.u32 s1, s0  }
0xbf: {  	s0 =	sadd.s32 $0x8F2B, s0  }
0xc0: {  	[sflag:s0] =	ssyncadd.remote.s32 $0x1  }
0xc1: {  	_ =	sfence.sel $0xFFFF  }
0xc2: {  	[dreg:$0x0] =	wrdreg $0xFFFFFFFF;
	(pc) =	sbr.abs _section_cstart, $3  }
0xc3: {  	[dreg:$0x1] =	wrdreg $0xFFFFFFFF  }
0xc4: {  	_ =	task.clear_ibuf [dreg:s9], $0x2FFFF;
	_ =	strace $0x9FFFFFFF  }
0xc5: {  	(tm) =	ssettm $0x7FFFFFFF  }
tec
execute0_lowered:
.L_overlay_start_1:
0x0: {  	(tag) =	ssettag $0x1  }
0x1: {  	s2 =	rddreg [dreg:$0x0]  }
0x2: {  	s0 =	rddreg [dreg:$0x1];
	s3 =	srdreg.scid  }
0x3: {  	s4 =	rddreg [dreg:$0x2];
	s6 =	stileid.u32;
	s3 =	sand.u32 $0x1, s3  }
0x4: {  	s6 =	sshll.u32 s6, $0xE;
	s5 =	ssub.s32 $0x2, s3;
	s3 =	sshll.u32 s3, $0xD  }
0x5: {  	s1 =	simm.s32 $0x0;
	s7 =	sshrl.u32 s5, $0x1;
	s3 =	sor.u32 s3, s6  }
0x6: {  	[smem:$0x7FF] =	sst s1;
	s5 =	ssub.s32 s5, s7;
	s0 =	sadd.s32 s0, s3  }
0x7: {  	s17 =	sor.u32 $0x800, s3;
	s19 =	sor.u32 $0x1000, s3;
	s20 =	sor.u32 $0x1800, s3  }
0x8: {  	s23 =	sor.u32 $0x40000, s3;
	[dreg:$0x4] =	wrdreg s0;
	s18 =	sadd.s32 s2, s17  }
0x9: {  	s24 =	sor.u32 $0x40800, s3;
	s8 =	sadd.s32 s2, s19;
	[dreg:$0x5] =	wrdreg s18  }
0xa: {  	s9 =	sor.u32 $0x41800, s3;
	s0 =	sadd.s32 s4, s17;
	[dreg:$0x6] =	wrdreg s8  }
0xb: {  	s12 =	sor.u32 $0x80000, s3;
	s21 =	sadd.s32 s2, s20;
	[dreg:$0x7] =	wrdreg s0  }
0xc: {  	s13 =	sor.u32 $0x80800, s3;
	s22 =	sadd.s32 s4, s19;
	[dreg:$0x8] =	wrdreg s21  }
0xd: {  	s16 =	sor.u32 $0x81000, s3;
	s25 =	sadd.s32 s2, s23;
	[dreg:$0x9] =	wrdreg s22  }
0xe: {  	s31 =	sadd.s32 s2, s3;
	s7 =	sadd.s32 s4, s20;
	[dreg:$0xa] =	wrdreg s25  }
0xf: {  	s30 =	sadd.s32 s4, s3;
	s26 =	sadd.s32 s2, s24;
	[dreg:$0xb] =	wrdreg s7  }
0x10: {  	s6 =	sadd.s32 s4, s24;
	s11 =	sadd.s32 s2, s9;
	[dreg:$0xc] =	wrdreg s26  }
0x11: {  	s14 =	sadd.s32 s2, s12;
	s15 =	sadd.s32 s2, s13;
	[dreg:$0xf] =	wrdreg s6  }
0x12: {  	s17 =	sadd.s32 s2, s16;
	s19 =	sor.u32 $0xC0000, s3;
	[dreg:$0x10] =	wrdreg s11  }
0x13: {  	s20 =	sor.u32 $0xC0800, s3;
	s5 =	smax.u32 s5, $0x1;
	[dreg:$0x12] =	wrdreg s14  }
0x14: {  	s0 =	sadd.s32 s4, s23;
	s7 =	sor.u32 $0x41000, s3;
	[dreg:$0x14] =	wrdreg s15  }
0x15: {  	s6 =	sadd.s32 s4, s13;
	[dreg:$0x17] =	wrdreg s17;
	s18 =	sor.u32 $0x81800, s3  }
0x16: {  	s25 =	sadd.s32 s2, s19;
	s26 =	sadd.s32 s4, s19;
	s28 =	sadd.s32 s2, s20  }
0x17: {  	s29 =	sadd.s32 s4, s20;
	s21 =	sor.u32 $0xC1000, s3;
	s22 =	sor.u32 $0xC1800, s3  }
0x18: {  	s8 =	simm.s32 $0x14000;
	s11 =	simm.s32 $0x2;
	s13 =	simm.s32 $0x3  }
0x19: {  	s14 =	simm.s32 $0x5;
	s15 =	simm.s32 $0x6;
	[dreg:$0xd] =	wrdreg s0  }
0x1a: {  	s10 =	sadd.s32 s2, s7;
	s0 =	sadd.s32 s4, s7;
	[dreg:$0x16] =	wrdreg s6  }
0x1b: {  	s7 =	sadd.s32 s4, s9;
	s23 =	sadd.s32 s2, s18;
	[dreg:$0xe] =	wrdreg s10  }
0x1c: {  	s24 =	sadd.s32 s4, s18;
	s3 =	sadd.s32 s4, s21;
	[dreg:$0x11] =	wrdreg s0  }
0x1d: {  	s6 =	simm.s32 $0x7;
	s9 =	simm.s32 $0x1;
	[dreg:$0x13] =	wrdreg s7  }
0x1e: {  	s0 =	sadd.s32 s4, s12;
	s7 =	simm.s32 $0x10000;
	s10 =	simm.s32 $0x18000  }
0x1f: {  	s12 =	simm.s32 $0x4;
	[dreg:$0x15] =	wrdreg s0;
	s0 =	sadd.s32 s4, s16  }
0x20: {  	s4 =	sadd.s32 s4, s22;
	s16 =	simm.s32 $0x0;
	[dreg:$0x18] =	wrdreg s0  }
0x21: {  	s0 =	sadd.s32 s2, s21;
	s2 =	sadd.s32 s2, s22;
	_ =	strace $0x80000047  }
.LBB2_1:
0x22: {  	s17 =	rddreg [dreg:$0x4]  }
0x23: {  	[tilespmem:s1], [sflag:$0x7] =	stream.linear.gather [hbm4b:s17+s1], $0x10000, $0x38;
	[tilespmem:$0x1C000] =	vst v63  }
0x24: {  	_ =	swait.ge [sflag:s6], $0x10000  }
0x25: {  	[sflag:s6] =	ssyncset.done $0x0  }
0x26: {  	[sflag:s6] =	ssyncadd.s32 $0xFFFF0000  }
0x27: {  	[tilespmem:s7], [sflag:$0x1] =	stream.linear.gather [hbm4b:s31+s1], $0x4000, $0x38;
	[tilespmem:$0x1C000] =	vst v63  }
0x28: {  	s21 =	simm.s32 $0x0;
	s18 =	sand.u32 $0x1C00, s1;
	s20 =	rddreg [dreg:$0x5]  }
0x29: {  	[tilespmem:s8], [sflag:$0x2] =	stream.linear.gather [hbm4b:s20+s1], $0x4000, $0x38;
	[tilespmem:$0x1C000] =	vst v63  }
0x2a: {  	s19 =	simm.s32 $0x0;
	s17 =	sand.u32 $0x2000, s21;
	_ =	swait.ge [sflag:s9], $0x4000  }
0x2b: {  	s22 =	sand.u32 $0x380, s19;
	s17 =	sor.u32 s18, s17;
	[sflag:s9] =	ssyncset.done $0x0  }
0x2c: {  	s17 =	sor.u32 s22, s17;
	[sflag:s9] =	ssyncadd.s32 $0xFFFFC000  }
0x2d: {  	v0 =	vld [tilespmem:s17+$0x10070]  }
0x2e: {  	v2 =	vld [tilespmem:s17+$0x70]  }
0x2f: {  	v3 =	vld [tilespmem:s17+$0x10000]  }
0x30: {  	v5 =	vld [tilespmem:s17+$0x0]  }
0x31: {  	v6 =	vld [tilespmem:s17+$0x10010]  }
0x32: {  	v7 =	vld [tilespmem:s17+$0x10]  }
0x33: {  	v1 =	vld [tilespmem:s17+$0x10020]  }
0x34: {  	v4 =	vld [tilespmem:s17+$0x20];
	v2 =	vadd.f32 v2, v0  }
0x35: {  	v5 =	vadd.f32 v5, v3;
	v0 =	vld [tilespmem:s17+$0x10030]  }
0x36: {  	v3 =	vld [tilespmem:s17+$0x30];
	[tilespmem:s17+$0x10070] =	vst v2  }
0x37: {  	s19 =	simm.s32 $0x0;
	s18 =	simm.s32 $0x0;
	[tilespmem:s17+$0x10000] =	vst v5;
	v5 =	vadd.f32 v7, v6;
	v2 =	vld [tilespmem:s17+$0x10040]  }
.LBB2_2:
0x38: {  	s18 =	sadd.s32 $0x8, s18;
	v6 =	vld [tilespmem:s17+$0x40]  }
0x39: {  	s19 =	sadd.s32 $0x400, s19;
	s20 =	sshll.u32 s18, $0x4;
	p0 =	slt.u32 s18, $0x3F8;
	[tilespmem:s17+$0x10010] =	vst v5;
	v1 =	vadd.f32 v4, v1;
	v4 =	vld [tilespmem:s17+$0x10050]  }
0x3a: {  	s21 =	sand.u32 $0x1C00, s19;
	s22 =	sshll.u32 s18, $0x1;
	s20 =	sand.u32 $0x2000, s20;
	v5 =	vld [tilespmem:s17+$0x50]  }
0x3b: {  	s20 =	sor.u32 s21, s20;
	s21 =	sand.u32 $0x380, s22;
	[tilespmem:s17+$0x10020] =	vst v1;
	v0 =	vadd.f32 v3, v0;
	v1 =	vld [tilespmem:s17+$0x10060]  }
0x3c: {  	s20 =	sor.u32 s21, s20;
	v3 =	vld [tilespmem:s17+$0x60]  }
0x3d: {  	v7 =	vld [tilespmem:s20+$0x10070];
	[tilespmem:s17+$0x10030] =	vst v0;
	v0 =	vadd.f32 v6, v2  }
0x3e: {  	v2 =	vld [tilespmem:s20+$0x70]  }
0x3f: {  	v6 =	vld [tilespmem:s20+$0x10000];
	[tilespmem:s17+$0x10040] =	vst v0;
	v0 =	vadd.f32 v5, v4  }
0x40: {  	v5 =	vld [tilespmem:s20+$0x0]  }
0x41: {  	v8 =	vld [tilespmem:s20+$0x10010];
	[tilespmem:s17+$0x10050] =	vst v0;
	v0 =	vadd.f32 v3, v1  }
0x42: {  	v9 =	vld [tilespmem:s20+$0x10]  }
.Ltmp0:
0x43: {  	v1 =	vld [tilespmem:s20+$0x10020];
	v2 =	vadd.f32 v2, v7;
	[tilespmem:s17+$0x10060] =	vst v0;
	s17 =	smov.u32 s20;
	(pc) =	sbr.rel @p0 .LBB2_2-.Ltmp0, $4  }
0x44: {  	v4 =	vld [tilespmem:s17+$0x20]  }
0x45: {  	v5 =	vadd.f32 v5, v6;
	v0 =	vld [tilespmem:s17+$0x10030];
	[tilespmem:s17+$0x10070] =	vst v2  }
0x46: {  	v3 =	vld [tilespmem:s17+$0x30]  }
0x47: {  	[tilespmem:s17+$0x10000] =	vst v5;
	v5 =	vadd.f32 v9, v8;
	v2 =	vld [tilespmem:s17+$0x10040]  }
0x48: {  	v6 =	vld [tilespmem:s17+$0x40]  }
0x49: {  	v7 =	vld [tilespmem:s17+$0x10050]  }
0x4a: {  	v8 =	vld [tilespmem:s17+$0x50]  }
0x4b: {  	v9 =	vld [tilespmem:s17+$0x10060]  }
0x4c: {  	v10 =	vld [tilespmem:s17+$0x60]  }
0x4d: {  	v1 =	vadd.f32 v4, v1  }
0x4e: {  	[tilespmem:s17+$0x10010] =	vst v5;
	v0 =	vadd.f32 v3, v0  }
0x4f: {  	[tilespmem:s17+$0x10020] =	vst v1;
	v1 =	vadd.f32 v6, v2  }
0x50: {  	[tilespmem:s17+$0x10030] =	vst v0;
	v0 =	vadd.f32 v8, v7  }
0x51: {  	[tilespmem:s17+$0x10040] =	vst v1;
	v1 =	vadd.f32 v10, v9  }
0x52: {  	[tilespmem:s17+$0x10050] =	vst v0  }
0x53: {  	s18 =	simm.s32 $0x0;
	[tilespmem:s17+$0x10060] =	vst v1  }
0x54: {  	[hbm4b:s30+s18] =	stream.linear.scatter [tilespmem:s7], [sflag:$0x4], $0x4000, $0x38;
	[tilespmem:$0x1C000] =	vst v63  }
0x55: {  	s22 =	simm.s32 $0x0;
	s19 =	simm.s32 $0x0;
	s17 =	rddreg [dreg:$0x6]  }
0x56: {  	[tilespmem:s10], [sflag:$0x3] =	stream.linear.gather [hbm4b:s17+s18], $0x4000, $0x38;
	[tilespmem:$0x1C000] =	vst v63  }
0x57: {  	s19 =	sand.u32 $0x380, s19;
	s17 =	sand.u32 $0x2000, s22;
	_ =	swait.ge [sflag:s11], $0x4000  }
0x58: {  	s20 =	sand.u32 $0x1C00, s18;
	s17 =	sor.u32 s19, s17;
	[sflag:s11] =	ssyncset.done $0x0  }
0x59: {  	s17 =	sor.u32 s20, s17;
	[sflag:s11] =	ssyncadd.s32 $0xFFFFC000  }
0x5a: {  	v0 =	vld [tilespmem:s17+$0x14070]  }
0x5b: {  	v2 =	vld [tilespmem:s17+$0x4070]  }
0x5c: {  	v3 =	vld [tilespmem:s17+$0x14000]  }
0x5d: {  	v5 =	vld [tilespmem:s17+$0x4000]  }
0x5e: {  	v6 =	vld [tilespmem:s17+$0x14010]  }
0x5f: {  	v7 =	vld [tilespmem:s17+$0x4010]  }
0x60: {  	v1 =	vld [tilespmem:s17+$0x14020]  }
0x61: {  	v4 =	vld [tilespmem:s17+$0x4020];
	v2 =	vadd.f32 v2, v0  }
0x62: {  	v5 =	vadd.f32 v5, v3;
	v0 =	vld [tilespmem:s17+$0x14030]  }
0x63: {  	v3 =	vld [tilespmem:s17+$0x4030];
	[tilespmem:s17+$0x14070] =	vst v2  }
0x64: {  	s19 =	simm.s32 $0x0;
	[tilespmem:s17+$0x14000] =	vst v5;
	v5 =	vadd.f32 v7, v6;
	v2 =	vld [tilespmem:s17+$0x14040]  }
.LBB2_4:
0x65: {  	s19 =	sadd.s32 $0x8, s19;
	v6 =	vld [tilespmem:s17+$0x4040]  }
0x66: {  	s20 =	sshll.u32 s19, $0x4;
	s21 =	sshll.u32 s19, $0x1;
	p0 =	slt.u32 s19, $0x3F8;
	[tilespmem:s17+$0x14010] =	vst v5;
	v1 =	vadd.f32 v4, v1;
	v4 =	vld [tilespmem:s17+$0x14050]  }
0x67: {  	s18 =	sadd.s32 $0x400, s18;
	s20 =	sand.u32 $0x2000, s20;
	s21 =	sand.u32 $0x380, s21;
	v5 =	vld [tilespmem:s17+$0x4050]  }
0x68: {  	s22 =	sand.u32 $0x1C00, s18;
	s20 =	sor.u32 s21, s20;
	[tilespmem:s17+$0x14020] =	vst v1;
	v0 =	vadd.f32 v3, v0;
	v1 =	vld [tilespmem:s17+$0x14060]  }
0x69: {  	s20 =	sor.u32 s22, s20;
	v3 =	vld [tilespmem:s17+$0x4060]  }
0x6a: {  	v7 =	vld [tilespmem:s20+$0x14070];
	[tilespmem:s17+$0x14030] =	vst v0;
	v0 =	vadd.f32 v6, v2  }
0x6b: {  	v2 =	vld [tilespmem:s20+$0x4070]  }
0x6c: {  	v6 =	vld [tilespmem:s20+$0x14000];
	[tilespmem:s17+$0x14040] =	vst v0;
	v0 =	vadd.f32 v5, v4  }
0x6d: {  	v5 =	vld [tilespmem:s20+$0x4000]  }
0x6e: {  	v8 =	vld [tilespmem:s20+$0x14010];
	[tilespmem:s17+$0x14050] =	vst v0;
	v0 =	vadd.f32 v3, v1  }
0x6f: {  	v9 =	vld [tilespmem:s20+$0x4010]  }
.Ltmp1:
0x70: {  	v1 =	vld [tilespmem:s20+$0x14020];
	v2 =	vadd.f32 v2, v7;
	[tilespmem:s17+$0x14060] =	vst v0;
	s17 =	smov.u32 s20;
	(pc) =	sbr.rel @p0 .LBB2_4-.Ltmp1, $4  }
0x71: {  	v4 =	vld [tilespmem:s17+$0x4020]  }
0x72: {  	v5 =	vadd.f32 v5, v6;
	v0 =	vld [tilespmem:s17+$0x14030];
	[tilespmem:s17+$0x14070] =	vst v2  }
0x73: {  	v3 =	vld [tilespmem:s17+$0x4030]  }
0x74: {  	[tilespmem:s17+$0x14000] =	vst v5;
	v5 =	vadd.f32 v9, v8;
	v2 =	vld [tilespmem:s17+$0x14040]  }
0x75: {  	v6 =	vld [tilespmem:s17+$0x4040]  }
0x76: {  	v7 =	vld [tilespmem:s17+$0x14050]  }
0x77: {  	v8 =	vld [tilespmem:s17+$0x4050]  }
0x78: {  	v9 =	vld [tilespmem:s17+$0x14060]  }
0x79: {  	v10 =	vld [tilespmem:s17+$0x4060]  }
0x7a: {  	v1 =	vadd.f32 v4, v1  }
0x7b: {  	[tilespmem:s17+$0x14010] =	vst v5;
	v0 =	vadd.f32 v3, v0  }
0x7c: {  	[tilespmem:s17+$0x14020] =	vst v1;
	v1 =	vadd.f32 v6, v2  }
0x7d: {  	[tilespmem:s17+$0x14030] =	vst v0;
	v0 =	vadd.f32 v8, v7  }
0x7e: {  	[tilespmem:s17+$0x14040] =	vst v1;
	v1 =	vadd.f32 v10, v9  }
0x7f: {  	[tilespmem:s17+$0x14050] =	vst v0  }
0x80: {  	[tilespmem:s17+$0x14060] =	vst v1  }
0x81: {  	s18 =	simm.s32 $0x0;
	s17 =	rddreg [dreg:$0x7]  }
0x82: {  	[hbm4b:s17+s18] =	stream.linear.scatter [tilespmem:s8], [sflag:$0x5], $0x4000, $0x38;
	[tilespmem:$0x1C000] =	vst v63  }
0x83: {  	_ =	swait.ge [sflag:s12], $0x4000  }
0x84: {  	s22 =	simm.s32 $0x0;
	[sflag:s12] =	ssyncset.done $0x0  }
0x85: {  	s19 =	simm.s32 $0x0;
	s21 =	rddreg [dreg:$0x8];
	[sflag:s12] =	ssyncadd.s32 $0xFFFFC000  }
0x86: {  	[tilespmem:s7], [sflag:$0x1] =	stream.linear.gather [hbm4b:s21+s18], $0x4000, $0x38;
	[tilespmem:$0x1C000] =	vst v63  }
0x87: {  	s19 =	sand.u32 $0x380, s19;
	s17 =	sand.u32 $0x2000, s22;
	_ =	swait.ge [sflag:s13], $0x4000  }
0x88: {  	s20 =	sand.u32 $0x1C00, s18;
	s17 =	sor.u32 s19, s17;
	[sflag:s13] =	ssyncset.done $0x0  }
0x89: {  	s17 =	sor.u32 s20, s17;
	[sflag:s13] =	ssyncadd.s32 $0xFFFFC000  }
0x8a: {  	v0 =	vld [tilespmem:s17+$0x18070]  }
0x8b: {  	v2 =	vld [tilespmem:s17+$0x8070]  }
0x8c: {  	v3 =	vld [tilespmem:s17+$0x18000]  }
0x8d: {  	v5 =	vld [tilespmem:s17+$0x8000]  }
0x8e: {  	v6 =	vld [tilespmem:s17+$0x18010]  }
0x8f: {  	v7 =	vld [tilespmem:s17+$0x8010]  }
0x90: {  	v1 =	vld [tilespmem:s17+$0x18020]  }
0x91: {  	v4 =	vld [tilespmem:s17+$0x8020];
	v2 =	vadd.f32 v2, v0  }
0x92: {  	v5 =	vadd.f32 v5, v3;
	v0 =	vld [tilespmem:s17+$0x18030]  }
0x93: {  	v3 =	vld [tilespmem:s17+$0x8030];
	[tilespmem:s17+$0x18070] =	vst v2  }
0x94: {  	s19 =	simm.s32 $0x0;
	[tilespmem:s17+$0x18000] =	vst v5;
	v5 =	vadd.f32 v7, v6;
	v2 =	vld [tilespmem:s17+$0x18040]  }
.LBB2_6:
0x95: {  	s19 =	sadd.s32 $0x8, s19;
	v6 =	vld [tilespmem:s17+$0x8040]  }
0x96: {  	s20 =	sshll.u32 s19, $0x4;
	s21 =	sshll.u32 s19, $0x1;
	p0 =	slt.u32 s19, $0x3F8;
	[tilespmem:s17+$0x18010] =	vst v5;
	v1 =	vadd.f32 v4, v1;
	v4 =	vld [tilespmem:s17+$0x18050]  }
0x97: {  	s18 =	sadd.s32 $0x400, s18;
	s20 =	sand.u32 $0x2000, s20;
	s21 =	sand.u32 $0x380, s21;
	v5 =	vld [tilespmem:s17+$0x8050]  }
0x98: {  	s22 =	sand.u32 $0x1C00, s18;
	s20 =	sor.u32 s21, s20;
	[tilespmem:s17+$0x18020] =	vst v1;
	v0 =	vadd.f32 v3, v0;
	v1 =	vld [tilespmem:s17+$0x18060]  }
0x99: {  	s20 =	sor.u32 s22, s20;
	v3 =	vld [tilespmem:s17+$0x8060]  }
0x9a: {  	v7 =	vld [tilespmem:s20+$0x18070];
	[tilespmem:s17+$0x18030] =	vst v0;
	v0 =	vadd.f32 v6, v2  }
0x9b: {  	v2 =	vld [tilespmem:s20+$0x8070]  }
0x9c: {  	v6 =	vld [tilespmem:s20+$0x18000];
	[tilespmem:s17+$0x18040] =	vst v0;
	v0 =	vadd.f32 v5, v4  }
0x9d: {  	v5 =	vld [tilespmem:s20+$0x8000]  }
0x9e: {  	v8 =	vld [tilespmem:s20+$0x18010];
	[tilespmem:s17+$0x18050] =	vst v0;
	v0 =	vadd.f32 v3, v1  }
0x9f: {  	v9 =	vld [tilespmem:s20+$0x8010]  }
.Ltmp2:
0xa0: {  	v1 =	vld [tilespmem:s20+$0x18020];
	v2 =	vadd.f32 v2, v7;
	[tilespmem:s17+$0x18060] =	vst v0;
	s17 =	smov.u32 s20;
	(pc) =	sbr.rel @p0 .LBB2_6-.Ltmp2, $4  }
0xa1: {  	v4 =	vld [tilespmem:s17+$0x8020]  }
0xa2: {  	v5 =	vadd.f32 v5, v6;
	v0 =	vld [tilespmem:s17+$0x18030];
	[tilespmem:s17+$0x18070] =	vst v2  }
0xa3: {  	v3 =	vld [tilespmem:s17+$0x8030]  }
0xa4: {  	[tilespmem:s17+$0x18000] =	vst v5;
	v5 =	vadd.f32 v9, v8;
	v2 =	vld [tilespmem:s17+$0x18040]  }
0xa5: {  	v6 =	vld [tilespmem:s17+$0x8040]  }
0xa6: {  	v7 =	vld [tilespmem:s17+$0x18050]  }
0xa7: {  	v8 =	vld [tilespmem:s17+$0x8050]  }
0xa8: {  	v9 =	vld [tilespmem:s17+$0x18060]  }
0xa9: {  	v10 =	vld [tilespmem:s17+$0x8060]  }
0xaa: {  	v1 =	vadd.f32 v4, v1  }
0xab: {  	[tilespmem:s17+$0x18010] =	vst v5;
	v0 =	vadd.f32 v3, v0  }
0xac: {  	[tilespmem:s17+$0x18020] =	vst v1;
	v1 =	vadd.f32 v6, v2  }
0xad: {  	[tilespmem:s17+$0x18030] =	vst v0;
	v0 =	vadd.f32 v8, v7  }
0xae: {  	[tilespmem:s17+$0x18040] =	vst v1;
	v1 =	vadd.f32 v10, v9  }
0xaf: {  	[tilespmem:s17+$0x18050] =	vst v0  }
0xb0: {  	[tilespmem:s17+$0x18060] =	vst v1  }
0xb1: {  	s18 =	simm.s32 $0x0;
	s17 =	rddreg [dreg:$0x9]  }
0xb2: {  	[hbm4b:s17+s18] =	stream.linear.scatter [tilespmem:s10], [sflag:$0x6], $0x4000, $0x38;
	[tilespmem:$0x1C000] =	vst v63  }
0xb3: {  	_ =	swait.ge [sflag:s14], $0x4000  }
0xb4: {  	s22 =	simm.s32 $0x0;
	[sflag:s14] =	ssyncset.done $0x0  }
0xb5: {  	s19 =	simm.s32 $0x0;
	s21 =	rddreg [dreg:$0xa];
	[sflag:s14] =	ssyncadd.s32 $0xFFFFC000  }
0xb6: {  	[tilespmem:s8], [sflag:$0x2] =	stream.linear.gather [hbm4b:s21+s18], $0x4000, $0x38;
	[tilespmem:$0x1C000] =	vst v63  }
0xb7: {  	s19 =	sand.u32 $0x380, s19;
	s17 =	sand.u32 $0x2000, s22;
	_ =	swait.ge [sflag:s9], $0x4000  }
0xb8: {  	s20 =	sand.u32 $0x1C00, s18;
	s17 =	sor.u32 s19, s17;
	[sflag:s9] =	ssyncset.done $0x0  }
0xb9: {  	s17 =	sor.u32 s20, s17;
	[sflag:s9] =	ssyncadd.s32 $0xFFFFC000  }
0xba: {  	v0 =	vld [tilespmem:s17+$0x10070]  }
0xbb: {  	v2 =	vld [tilespmem:s17+$0xC070]  }
0xbc: {  	v3 =	vld [tilespmem:s17+$0x10000]  }
0xbd: {  	v5 =	vld [tilespmem:s17+$0xC000]  }
0xbe: {  	v6 =	vld [tilespmem:s17+$0x10010]  }
0xbf: {  	v7 =	vld [tilespmem:s17+$0xC010]  }
0xc0: {  	v1 =	vld [tilespmem:s17+$0x10020]  }
0xc1: {  	v4 =	vld [tilespmem:s17+$0xC020];
	v2 =	vadd.f32 v2, v0  }
0xc2: {  	v5 =	vadd.f32 v5, v3;
	v0 =	vld [tilespmem:s17+$0x10030]  }
0xc3: {  	v3 =	vld [tilespmem:s17+$0xC030];
	[tilespmem:s17+$0x10070] =	vst v2  }
0xc4: {  	s19 =	simm.s32 $0x0;
	[tilespmem:s17+$0x10000] =	vst v5;
	v5 =	vadd.f32 v7, v6;
	v2 =	vld [tilespmem:s17+$0x10040]  }
.LBB2_8:
0xc5: {  	s19 =	sadd.s32 $0x8, s19;
	v6 =	vld [tilespmem:s17+$0xC040]  }
0xc6: {  	s20 =	sshll.u32 s19, $0x4;
	s21 =	sshll.u32 s19, $0x1;
	p0 =	slt.u32 s19, $0x3F8;
	[tilespmem:s17+$0x10010] =	vst v5;
	v1 =	vadd.f32 v4, v1;
	v4 =	vld [tilespmem:s17+$0x10050]  }
0xc7: {  	s18 =	sadd.s32 $0x400, s18;
	s20 =	sand.u32 $0x2000, s20;
	s21 =	sand.u32 $0x380, s21;
	v5 =	vld [tilespmem:s17+$0xC050]  }
0xc8: {  	s22 =	sand.u32 $0x1C00, s18;
	s20 =	sor.u32 s21, s20;
	[tilespmem:s17+$0x10020] =	vst v1;
	v0 =	vadd.f32 v3, v0;
	v1 =	vld [tilespmem:s17+$0x10060]  }
0xc9: {  	s20 =	sor.u32 s22, s20;
	v3 =	vld [tilespmem:s17+$0xC060]  }
0xca: {  	v7 =	vld [tilespmem:s20+$0x10070];
	[tilespmem:s17+$0x10030] =	vst v0;
	v0 =	vadd.f32 v6, v2  }
0xcb: {  	v2 =	vld [tilespmem:s20+$0xC070]  }
0xcc: {  	v6 =	vld [tilespmem:s20+$0x10000];
	[tilespmem:s17+$0x10040] =	vst v0;
	v0 =	vadd.f32 v5, v4  }
0xcd: {  	v5 =	vld [tilespmem:s20+$0xC000]  }
0xce: {  	v8 =	vld [tilespmem:s20+$0x10010];
	[tilespmem:s17+$0x10050] =	vst v0;
	v0 =	vadd.f32 v3, v1  }
0xcf: {  	v9 =	vld [tilespmem:s20+$0xC010]  }
.Ltmp3:
0xd0: {  	v1 =	vld [tilespmem:s20+$0x10020];
	v2 =	vadd.f32 v2, v7;
	[tilespmem:s17+$0x10060] =	vst v0;
	s17 =	smov.u32 s20;
	(pc) =	sbr.rel @p0 .LBB2_8-.Ltmp3, $4  }
0xd1: {  	v4 =	vld [tilespmem:s17+$0xC020]  }
0xd2: {  	v5 =	vadd.f32 v5, v6;
	v0 =	vld [tilespmem:s17+$0x10030];
	[tilespmem:s17+$0x10070] =	vst v2  }
0xd3: {  	v3 =	vld [tilespmem:s17+$0xC030]  }
0xd4: {  	[tilespmem:s17+$0x10000] =	vst v5;
	v5 =	vadd.f32 v9, v8;
	v2 =	vld [tilespmem:s17+$0x10040]  }
0xd5: {  	v6 =	vld [tilespmem:s17+$0xC040]  }
0xd6: {  	v7 =	vld [tilespmem:s17+$0x10050]  }
0xd7: {  	v8 =	vld [tilespmem:s17+$0xC050]  }
0xd8: {  	v9 =	vld [tilespmem:s17+$0x10060]  }
0xd9: {  	v10 =	vld [tilespmem:s17+$0xC060]  }
0xda: {  	v1 =	vadd.f32 v4, v1  }
0xdb: {  	[tilespmem:s17+$0x10010] =	vst v5;
	v0 =	vadd.f32 v3, v0  }
0xdc: {  	[tilespmem:s17+$0x10020] =	vst v1;
	v1 =	vadd.f32 v6, v2  }
0xdd: {  	[tilespmem:s17+$0x10030] =	vst v0;
	v0 =	vadd.f32 v8, v7  }
0xde: {  	[tilespmem:s17+$0x10040] =	vst v1;
	v1 =	vadd.f32 v10, v9  }
0xdf: {  	[tilespmem:s17+$0x10050] =	vst v0  }
0xe0: {  	[tilespmem:s17+$0x10060] =	vst v1  }
0xe1: {  	s18 =	simm.s32 $0x0;
	s17 =	rddreg [dreg:$0xb]  }
0xe2: {  	[hbm4b:s17+s18] =	stream.linear.scatter [tilespmem:s7], [sflag:$0x4], $0x4000, $0x38;
	[tilespmem:$0x1C000] =	vst v63  }
0xe3: {  	_ =	swait.ge [sflag:s15], $0x4000  }
0xe4: {  	s21 =	simm.s32 $0x0;
	[sflag:s15] =	ssyncset.done $0x0  }
0xe5: {  	s19 =	sand.u32 $0x1C00, s18;
	s20 =	rddreg [dreg:$0xc];
	[sflag:s15] =	ssyncadd.s32 $0xFFFFC000  }
0xe6: {  	[tilespmem:s10], [sflag:$0x3] =	stream.linear.gather [hbm4b:s20+s18], $0x4000, $0x38;
	[tilespmem:$0x1C000] =	vst v63  }
0xe7: {  	s17 =	sand.u32 $0x2000, s21;
	s20 =	simm.s32 $0x0;
	_ =	swait.ge [sflag:s11], $0x4000  }
0xe8: {  	s17 =	sor.u32 s19, s17;
	s22 =	sand.u32 $0x380, s20;
	[sflag:s11] =	ssyncset.done $0x0  }
0xe9: {  	s17 =	sor.u32 s22, s17;
	[sflag:s11] =	ssyncadd.s32 $0xFFFFC000  }
0xea: {  	v0 =	vld [tilespmem:s17+$0x14070]  }
0xeb: {  	v2 =	vld [tilespmem:s17+$0x70]  }
0xec: {  	v3 =	vld [tilespmem:s17+$0x14000]  }
0xed: {  	v5 =	vld [tilespmem:s17+$0x0]  }
0xee: {  	v6 =	vld [tilespmem:s17+$0x14010]  }
0xef: {  	v7 =	vld [tilespmem:s17+$0x10]  }
0xf0: {  	v1 =	vld [tilespmem:s17+$0x14020]  }
0xf1: {  	v4 =	vld [tilespmem:s17+$0x20];
	v2 =	vadd.f32 v2, v0  }
0xf2: {  	v5 =	vadd.f32 v5, v3;
	v0 =	vld [tilespmem:s17+$0x14030]  }
0xf3: {  	v3 =	vld [tilespmem:s17+$0x30];
	[tilespmem:s17+$0x14070] =	vst v2  }
0xf4: {  	s19 =	simm.s32 $0x0;
	[tilespmem:s17+$0x14000] =	vst v5;
	v5 =	vadd.f32 v7, v6;
	v2 =	vld [tilespmem:s17+$0x14040]  }
.LBB2_10:
0xf5: {  	s19 =	sadd.s32 $0x8, s19;
	v6 =	vld [tilespmem:s17+$0x40]  }
0xf6: {  	s18 =	sadd.s32 $0x400, s18;
	s20 =	sshll.u32 s19, $0x4;
	p0 =	slt.u32 s19, $0x3F8;
	[tilespmem:s17+$0x14010] =	vst v5;
	v1 =	vadd.f32 v4, v1;
	v4 =	vld [tilespmem:s17+$0x14050]  }
0xf7: {  	s21 =	sand.u32 $0x1C00, s18;
	s22 =	sshll.u32 s19, $0x1;
	s20 =	sand.u32 $0x2000, s20;
	v5 =	vld [tilespmem:s17+$0x50]  }
0xf8: {  	s20 =	sor.u32 s21, s20;
	s21 =	sand.u32 $0x380, s22;
	[tilespmem:s17+$0x14020] =	vst v1;
	v0 =	vadd.f32 v3, v0;
	v1 =	vld [tilespmem:s17+$0x14060]  }
0xf9: {  	s20 =	sor.u32 s21, s20;
	v3 =	vld [tilespmem:s17+$0x60]  }
0xfa: {  	v7 =	vld [tilespmem:s20+$0x14070];
	[tilespmem:s17+$0x14030] =	vst v0;
	v0 =	vadd.f32 v6, v2  }
0xfb: {  	v2 =	vld [tilespmem:s20+$0x70]  }
0xfc: {  	v6 =	vld [tilespmem:s20+$0x14000];
	[tilespmem:s17+$0x14040] =	vst v0;
	v0 =	vadd.f32 v5, v4  }
0xfd: {  	v5 =	vld [tilespmem:s20+$0x0]  }
0xfe: {  	v8 =	vld [tilespmem:s20+$0x14010];
	[tilespmem:s17+$0x14050] =	vst v0;
	v0 =	vadd.f32 v3, v1  }
0xff: {  	v9 =	vld [tilespmem:s20+$0x10]  }
.Ltmp4:
0x100: {  	v1 =	vld [tilespmem:s20+$0x14020];
	v2 =	vadd.f32 v2, v7;
	[tilespmem:s17+$0x14060] =	vst v0;
	s17 =	smov.u32 s20;
	(pc) =	sbr.rel @p0 .LBB2_10-.Ltmp4, $4  }
0x101: {  	v4 =	vld [tilespmem:s17+$0x20]  }
0x102: {  	v5 =	vadd.f32 v5, v6;
	v0 =	vld [tilespmem:s17+$0x14030];
	[tilespmem:s17+$0x14070] =	vst v2  }
0x103: {  	v3 =	vld [tilespmem:s17+$0x30]  }
0x104: {  	[tilespmem:s17+$0x14000] =	vst v5;
	v5 =	vadd.f32 v9, v8;
	v2 =	vld [tilespmem:s17+$0x14040]  }
0x105: {  	v6 =	vld [tilespmem:s17+$0x40]  }
0x106: {  	v7 =	vld [tilespmem:s17+$0x14050]  }
0x107: {  	v8 =	vld [tilespmem:s17+$0x50]  }
0x108: {  	v9 =	vld [tilespmem:s17+$0x14060]  }
0x109: {  	v10 =	vld [tilespmem:s17+$0x60]  }
0x10a: {  	v1 =	vadd.f32 v4, v1  }
0x10b: {  	[tilespmem:s17+$0x14010] =	vst v5;
	v0 =	vadd.f32 v3, v0  }
0x10c: {  	[tilespmem:s17+$0x14020] =	vst v1;
	v1 =	vadd.f32 v6, v2  }
0x10d: {  	[tilespmem:s17+$0x14030] =	vst v0;
	v0 =	vadd.f32 v8, v7  }
0x10e: {  	[tilespmem:s17+$0x14040] =	vst v1;
	v1 =	vadd.f32 v10, v9  }
0x10f: {  	[tilespmem:s17+$0x14050] =	vst v0  }
0x110: {  	[tilespmem:s17+$0x14060] =	vst v1  }
0x111: {  	s18 =	simm.s32 $0x0;
	s17 =	rddreg [dreg:$0xd]  }
0x112: {  	[hbm4b:s17+s18] =	stream.linear.scatter [tilespmem:s8], [sflag:$0x5], $0x4000, $0x38;
	[tilespmem:$0x1C000] =	vst v63  }
0x113: {  	_ =	swait.ge [sflag:s12], $0x4000  }
0x114: {  	s22 =	simm.s32 $0x0;
	[sflag:s12] =	ssyncset.done $0x0  }
0x115: {  	s19 =	simm.s32 $0x0;
	s21 =	rddreg [dreg:$0xe];
	[sflag:s12] =	ssyncadd.s32 $0xFFFFC000  }
0x116: {  	[tilespmem:s7], [sflag:$0x1] =	stream.linear.gather [hbm4b:s21+s18], $0x4000, $0x38;
	[tilespmem:$0x1C000] =	vst v63  }
0x117: {  	s19 =	sand.u32 $0x380, s19;
	s17 =	sand.u32 $0x2000, s22;
	_ =	swait.ge [sflag:s13], $0x4000  }
0x118: {  	s20 =	sand.u32 $0x1C00, s18;
	s17 =	sor.u32 s19, s17;
	[sflag:s13] =	ssyncset.done $0x0  }
0x119: {  	s17 =	sor.u32 s20, s17;
	[sflag:s13] =	ssyncadd.s32 $0xFFFFC000  }
0x11a: {  	v0 =	vld [tilespmem:s17+$0x18070]  }
0x11b: {  	v2 =	vld [tilespmem:s17+$0x4070]  }
0x11c: {  	v3 =	vld [tilespmem:s17+$0x18000]  }
0x11d: {  	v5 =	vld [tilespmem:s17+$0x4000]  }
0x11e: {  	v6 =	vld [tilespmem:s17+$0x18010]  }
0x11f: {  	v7 =	vld [tilespmem:s17+$0x4010]  }
0x120: {  	v1 =	vld [tilespmem:s17+$0x18020]  }
0x121: {  	v4 =	vld [tilespmem:s17+$0x4020];
	v2 =	vadd.f32 v2, v0  }
0x122: {  	v5 =	vadd.f32 v5, v3;
	v0 =	vld [tilespmem:s17+$0x18030]  }
0x123: {  	v3 =	vld [tilespmem:s17+$0x4030];
	[tilespmem:s17+$0x18070] =	vst v2  }
0x124: {  	s19 =	simm.s32 $0x0;
	[tilespmem:s17+$0x18000] =	vst v5;
	v5 =	vadd.f32 v7, v6;
	v2 =	vld [tilespmem:s17+$0x18040]  }
.LBB2_12:
0x125: {  	s19 =	sadd.s32 $0x8, s19;
	v6 =	vld [tilespmem:s17+$0x4040]  }
0x126: {  	s20 =	sshll.u32 s19, $0x4;
	s21 =	sshll.u32 s19, $0x1;
	p0 =	slt.u32 s19, $0x3F8;
	[tilespmem:s17+$0x18010] =	vst v5;
	v1 =	vadd.f32 v4, v1;
	v4 =	vld [tilespmem:s17+$0x18050]  }
0x127: {  	s18 =	sadd.s32 $0x400, s18;
	s20 =	sand.u32 $0x2000, s20;
	s21 =	sand.u32 $0x380, s21;
	v5 =	vld [tilespmem:s17+$0x4050]  }
0x128: {  	s22 =	sand.u32 $0x1C00, s18;
	s20 =	sor.u32 s21, s20;
	[tilespmem:s17+$0x18020] =	vst v1;
	v0 =	vadd.f32 v3, v0;
	v1 =	vld [tilespmem:s17+$0x18060]  }
0x129: {  	s20 =	sor.u32 s22, s20;
	v3 =	vld [tilespmem:s17+$0x4060]  }
0x12a: {  	v7 =	vld [tilespmem:s20+$0x18070];
	[tilespmem:s17+$0x18030] =	vst v0;
	v0 =	vadd.f32 v6, v2  }
0x12b: {  	v2 =	vld [tilespmem:s20+$0x4070]  }
0x12c: {  	v6 =	vld [tilespmem:s20+$0x18000];
	[tilespmem:s17+$0x18040] =	vst v0;
	v0 =	vadd.f32 v5, v4  }
0x12d: {  	v5 =	vld [tilespmem:s20+$0x4000]  }
0x12e: {  	v8 =	vld [tilespmem:s20+$0x18010];
	[tilespmem:s17+$0x18050] =	vst v0;
	v0 =	vadd.f32 v3, v1  }
0x12f: {  	v9 =	vld [tilespmem:s20+$0x4010]  }
.Ltmp5:
0x130: {  	v1 =	vld [tilespmem:s20+$0x18020];
	v2 =	vadd.f32 v2, v7;
	[tilespmem:s17+$0x18060] =	vst v0;
	s17 =	smov.u32 s20;
	(pc) =	sbr.rel @p0 .LBB2_12-.Ltmp5, $4  }
0x131: {  	v4 =	vld [tilespmem:s17+$0x4020]  }
0x132: {  	v5 =	vadd.f32 v5, v6;
	v0 =	vld [tilespmem:s17+$0x18030];
	[tilespmem:s17+$0x18070] =	vst v2  }
0x133: {  	v3 =	vld [tilespmem:s17+$0x4030]  }
0x134: {  	[tilespmem:s17+$0x18000] =	vst v5;
	v5 =	vadd.f32 v9, v8;
	v2 =	vld [tilespmem:s17+$0x18040]  }
0x135: {  	v6 =	vld [tilespmem:s17+$0x4040]  }
0x136: {  	v7 =	vld [tilespmem:s17+$0x18050]  }
0x137: {  	v8 =	vld [tilespmem:s17+$0x4050]  }
0x138: {  	v9 =	vld [tilespmem:s17+$0x18060]  }
0x139: {  	v10 =	vld [tilespmem:s17+$0x4060]  }
0x13a: {  	v1 =	vadd.f32 v4, v1  }
0x13b: {  	[tilespmem:s17+$0x18010] =	vst v5;
	v0 =	vadd.f32 v3, v0  }
0x13c: {  	[tilespmem:s17+$0x18020] =	vst v1;
	v1 =	vadd.f32 v6, v2  }
0x13d: {  	[tilespmem:s17+$0x18030] =	vst v0;
	v0 =	vadd.f32 v8, v7  }
0x13e: {  	[tilespmem:s17+$0x18040] =	vst v1;
	v1 =	vadd.f32 v10, v9  }
0x13f: {  	[tilespmem:s17+$0x18050] =	vst v0  }
0x140: {  	[tilespmem:s17+$0x18060] =	vst v1  }
0x141: {  	s18 =	simm.s32 $0x0;
	s17 =	rddreg [dreg:$0xf]  }
0x142: {  	[hbm4b:s17+s18] =	stream.linear.scatter [tilespmem:s10], [sflag:$0x6], $0x4000, $0x38;
	[tilespmem:$0x1C000] =	vst v63  }
0x143: {  	_ =	swait.ge [sflag:s14], $0x4000  }
0x144: {  	s22 =	simm.s32 $0x0;
	[sflag:s14] =	ssyncset.done $0x0  }
0x145: {  	s19 =	simm.s32 $0x0;
	s21 =	rddreg [dreg:$0x10];
	[sflag:s14] =	ssyncadd.s32 $0xFFFFC000  }
0x146: {  	[tilespmem:s8], [sflag:$0x2] =	stream.linear.gather [hbm4b:s21+s18], $0x4000, $0x38;
	[tilespmem:$0x1C000] =	vst v63  }
0x147: {  	s19 =	sand.u32 $0x380, s19;
	s17 =	sand.u32 $0x2000, s22;
	_ =	swait.ge [sflag:s9], $0x4000  }
0x148: {  	s20 =	sand.u32 $0x1C00, s18;
	s17 =	sor.u32 s19, s17;
	[sflag:s9] =	ssyncset.done $0x0  }
0x149: {  	s17 =	sor.u32 s20, s17;
	[sflag:s9] =	ssyncadd.s32 $0xFFFFC000  }
0x14a: {  	v0 =	vld [tilespmem:s17+$0x10070]  }
0x14b: {  	v2 =	vld [tilespmem:s17+$0x8070]  }
0x14c: {  	v3 =	vld [tilespmem:s17+$0x10000]  }
0x14d: {  	v5 =	vld [tilespmem:s17+$0x8000]  }
0x14e: {  	v6 =	vld [tilespmem:s17+$0x10010]  }
0x14f: {  	v7 =	vld [tilespmem:s17+$0x8010]  }
0x150: {  	v1 =	vld [tilespmem:s17+$0x10020]  }
0x151: {  	v4 =	vld [tilespmem:s17+$0x8020];
	v2 =	vadd.f32 v2, v0  }
0x152: {  	v5 =	vadd.f32 v5, v3;
	v0 =	vld [tilespmem:s17+$0x10030]  }
0x153: {  	v3 =	vld [tilespmem:s17+$0x8030];
	[tilespmem:s17+$0x10070] =	vst v2  }
0x154: {  	s19 =	simm.s32 $0x0;
	[tilespmem:s17+$0x10000] =	vst v5;
	v5 =	vadd.f32 v7, v6;
	v2 =	vld [tilespmem:s17+$0x10040]  }
.LBB2_14:
0x155: {  	s19 =	sadd.s32 $0x8, s19;
	v6 =	vld [tilespmem:s17+$0x8040]  }
0x156: {  	s20 =	sshll.u32 s19, $0x4;
	s21 =	sshll.u32 s19, $0x1;
	p0 =	slt.u32 s19, $0x3F8;
	[tilespmem:s17+$0x10010] =	vst v5;
	v1 =	vadd.f32 v4, v1;
	v4 =	vld [tilespmem:s17+$0x10050]  }
0x157: {  	s18 =	sadd.s32 $0x400, s18;
	s20 =	sand.u32 $0x2000, s20;
	s21 =	sand.u32 $0x380, s21;
	v5 =	vld [tilespmem:s17+$0x8050]  }
0x158: {  	s22 =	sand.u32 $0x1C00, s18;
	s20 =	sor.u32 s21, s20;
	[tilespmem:s17+$0x10020] =	vst v1;
	v0 =	vadd.f32 v3, v0;
	v1 =	vld [tilespmem:s17+$0x10060]  }
0x159: {  	s20 =	sor.u32 s22, s20;
	v3 =	vld [tilespmem:s17+$0x8060]  }
0x15a: {  	v7 =	vld [tilespmem:s20+$0x10070];
	[tilespmem:s17+$0x10030] =	vst v0;
	v0 =	vadd.f32 v6, v2  }
0x15b: {  	v2 =	vld [tilespmem:s20+$0x8070]  }
0x15c: {  	v6 =	vld [tilespmem:s20+$0x10000];
	[tilespmem:s17+$0x10040] =	vst v0;
	v0 =	vadd.f32 v5, v4  }
0x15d: {  	v5 =	vld [tilespmem:s20+$0x8000]  }
0x15e: {  	v8 =	vld [tilespmem:s20+$0x10010];
	[tilespmem:s17+$0x10050] =	vst v0;
	v0 =	vadd.f32 v3, v1  }
0x15f: {  	v9 =	vld [tilespmem:s20+$0x8010]  }
.Ltmp6:
0x160: {  	v1 =	vld [tilespmem:s20+$0x10020];
	v2 =	vadd.f32 v2, v7;
	[tilespmem:s17+$0x10060] =	vst v0;
	s17 =	smov.u32 s20;
	(pc) =	sbr.rel @p0 .LBB2_14-.Ltmp6, $4  }
0x161: {  	v4 =	vld [tilespmem:s17+$0x8020]  }
0x162: {  	v5 =	vadd.f32 v5, v6;
	v0 =	vld [tilespmem:s17+$0x10030];
	[tilespmem:s17+$0x10070] =	vst v2  }
0x163: {  	v3 =	vld [tilespmem:s17+$0x8030]  }
0x164: {  	[tilespmem:s17+$0x10000] =	vst v5;
	v5 =	vadd.f32 v9, v8;
	v2 =	vld [tilespmem:s17+$0x10040]  }
0x165: {  	v6 =	vld [tilespmem:s17+$0x8040]  }
0x166: {  	v7 =	vld [tilespmem:s17+$0x10050]  }
0x167: {  	v8 =	vld [tilespmem:s17+$0x8050]  }
0x168: {  	v9 =	vld [tilespmem:s17+$0x10060]  }
0x169: {  	v10 =	vld [tilespmem:s17+$0x8060]  }
0x16a: {  	v1 =	vadd.f32 v4, v1  }
0x16b: {  	[tilespmem:s17+$0x10010] =	vst v5;
	v0 =	vadd.f32 v3, v0  }
0x16c: {  	[tilespmem:s17+$0x10020] =	vst v1;
	v1 =	vadd.f32 v6, v2  }
0x16d: {  	[tilespmem:s17+$0x10030] =	vst v0;
	v0 =	vadd.f32 v8, v7  }
0x16e: {  	[tilespmem:s17+$0x10040] =	vst v1;
	v1 =	vadd.f32 v10, v9  }
0x16f: {  	[tilespmem:s17+$0x10050] =	vst v0  }
0x170: {  	[tilespmem:s17+$0x10060] =	vst v1  }
0x171: {  	s18 =	simm.s32 $0x0;
	s17 =	rddreg [dreg:$0x11]  }
0x172: {  	[hbm4b:s17+s18] =	stream.linear.scatter [tilespmem:s7], [sflag:$0x4], $0x4000, $0x38;
	[tilespmem:$0x1C000] =	vst v63  }
0x173: {  	_ =	swait.ge [sflag:s15], $0x4000  }
0x174: {  	s22 =	simm.s32 $0x0;
	[sflag:s15] =	ssyncset.done $0x0  }
0x175: {  	s19 =	simm.s32 $0x0;
	s21 =	rddreg [dreg:$0x12];
	[sflag:s15] =	ssyncadd.s32 $0xFFFFC000  }
0x176: {  	[tilespmem:s10], [sflag:$0x3] =	stream.linear.gather [hbm4b:s21+s18], $0x4000, $0x38;
	[tilespmem:$0x1C000] =	vst v63  }
0x177: {  	s19 =	sand.u32 $0x380, s19;
	s17 =	sand.u32 $0x2000, s22;
	_ =	swait.ge [sflag:s11], $0x4000  }
0x178: {  	s20 =	sand.u32 $0x1C00, s18;
	s17 =	sor.u32 s19, s17;
	[sflag:s11] =	ssyncset.done $0x0  }
0x179: {  	s17 =	sor.u32 s20, s17;
	[sflag:s11] =	ssyncadd.s32 $0xFFFFC000  }
0x17a: {  	v0 =	vld [tilespmem:s17+$0x14070]  }
0x17b: {  	v2 =	vld [tilespmem:s17+$0xC070]  }
0x17c: {  	v3 =	vld [tilespmem:s17+$0x14000]  }
0x17d: {  	v5 =	vld [tilespmem:s17+$0xC000]  }
0x17e: {  	v6 =	vld [tilespmem:s17+$0x14010]  }
0x17f: {  	v7 =	vld [tilespmem:s17+$0xC010]  }
0x180: {  	v1 =	vld [tilespmem:s17+$0x14020]  }
0x181: {  	v4 =	vld [tilespmem:s17+$0xC020];
	v2 =	vadd.f32 v2, v0  }
0x182: {  	v5 =	vadd.f32 v5, v3;
	v0 =	vld [tilespmem:s17+$0x14030]  }
0x183: {  	v3 =	vld [tilespmem:s17+$0xC030];
	[tilespmem:s17+$0x14070] =	vst v2  }
0x184: {  	s19 =	simm.s32 $0x0;
	[tilespmem:s17+$0x14000] =	vst v5;
	v5 =	vadd.f32 v7, v6;
	v2 =	vld [tilespmem:s17+$0x14040]  }
.LBB2_16:
0x185: {  	s19 =	sadd.s32 $0x8, s19;
	v6 =	vld [tilespmem:s17+$0xC040]  }
0x186: {  	s20 =	sshll.u32 s19, $0x4;
	s21 =	sshll.u32 s19, $0x1;
	p0 =	slt.u32 s19, $0x3F8;
	[tilespmem:s17+$0x14010] =	vst v5;
	v1 =	vadd.f32 v4, v1;
	v4 =	vld [tilespmem:s17+$0x14050]  }
0x187: {  	s18 =	sadd.s32 $0x400, s18;
	s20 =	sand.u32 $0x2000, s20;
	s21 =	sand.u32 $0x380, s21;
	v5 =	vld [tilespmem:s17+$0xC050]  }
0x188: {  	s22 =	sand.u32 $0x1C00, s18;
	s20 =	sor.u32 s21, s20;
	[tilespmem:s17+$0x14020] =	vst v1;
	v0 =	vadd.f32 v3, v0;
	v1 =	vld [tilespmem:s17+$0x14060]  }
0x189: {  	s20 =	sor.u32 s22, s20;
	v3 =	vld [tilespmem:s17+$0xC060]  }
0x18a: {  	v7 =	vld [tilespmem:s20+$0x14070];
	[tilespmem:s17+$0x14030] =	vst v0;
	v0 =	vadd.f32 v6, v2  }
0x18b: {  	v2 =	vld [tilespmem:s20+$0xC070]  }
0x18c: {  	v6 =	vld [tilespmem:s20+$0x14000];
	[tilespmem:s17+$0x14040] =	vst v0;
	v0 =	vadd.f32 v5, v4  }
0x18d: {  	v5 =	vld [tilespmem:s20+$0xC000]  }
0x18e: {  	v8 =	vld [tilespmem:s20+$0x14010];
	[tilespmem:s17+$0x14050] =	vst v0;
	v0 =	vadd.f32 v3, v1  }
0x18f: {  	v9 =	vld [tilespmem:s20+$0xC010]  }
.Ltmp7:
0x190: {  	v1 =	vld [tilespmem:s20+$0x14020];
	v2 =	vadd.f32 v2, v7;
	[tilespmem:s17+$0x14060] =	vst v0;
	s17 =	smov.u32 s20;
	(pc) =	sbr.rel @p0 .LBB2_16-.Ltmp7, $4  }
0x191: {  	v4 =	vld [tilespmem:s17+$0xC020]  }
0x192: {  	v5 =	vadd.f32 v5, v6;
	v0 =	vld [tilespmem:s17+$0x14030];
	[tilespmem:s17+$0x14070] =	vst v2  }
0x193: {  	v3 =	vld [tilespmem:s17+$0xC030]  }
0x194: {  	[tilespmem:s17+$0x14000] =	vst v5;
	v5 =	vadd.f32 v9, v8;
	v2 =	vld [tilespmem:s17+$0x14040]  }
0x195: {  	v6 =	vld [tilespmem:s17+$0xC040]  }
0x196: {  	v7 =	vld [tilespmem:s17+$0x14050]  }
0x197: {  	v8 =	vld [tilespmem:s17+$0xC050]  }
0x198: {  	v9 =	vld [tilespmem:s17+$0x14060]  }
0x199: {  	v10 =	vld [tilespmem:s17+$0xC060]  }
0x19a: {  	v1 =	vadd.f32 v4, v1  }
0x19b: {  	[tilespmem:s17+$0x14010] =	vst v5;
	v0 =	vadd.f32 v3, v0  }
0x19c: {  	[tilespmem:s17+$0x14020] =	vst v1;
	v1 =	vadd.f32 v6, v2  }
0x19d: {  	[tilespmem:s17+$0x14030] =	vst v0;
	v0 =	vadd.f32 v8, v7  }
0x19e: {  	[tilespmem:s17+$0x14040] =	vst v1;
	v1 =	vadd.f32 v10, v9  }
0x19f: {  	[tilespmem:s17+$0x14050] =	vst v0  }
0x1a0: {  	[tilespmem:s17+$0x14060] =	vst v1  }
0x1a1: {  	s18 =	simm.s32 $0x0;
	s17 =	rddreg [dreg:$0x13]  }
0x1a2: {  	[hbm4b:s17+s18] =	stream.linear.scatter [tilespmem:s8], [sflag:$0x5], $0x4000, $0x38;
	[tilespmem:$0x1C000] =	vst v63  }
0x1a3: {  	_ =	swait.ge [sflag:s12], $0x4000  }
0x1a4: {  	s21 =	simm.s32 $0x0;
	[sflag:s12] =	ssyncset.done $0x0  }
0x1a5: {  	s19 =	sand.u32 $0x1C00, s18;
	s20 =	rddreg [dreg:$0x14];
	[sflag:s12] =	ssyncadd.s32 $0xFFFFC000  }
0x1a6: {  	[tilespmem:s7], [sflag:$0x1] =	stream.linear.gather [hbm4b:s20+s18], $0x4000, $0x38;
	[tilespmem:$0x1C000] =	vst v63  }
0x1a7: {  	s17 =	sand.u32 $0x2000, s21;
	s20 =	simm.s32 $0x0;
	_ =	swait.ge [sflag:s13], $0x4000  }
0x1a8: {  	s17 =	sor.u32 s19, s17;
	s22 =	sand.u32 $0x380, s20;
	[sflag:s13] =	ssyncset.done $0x0  }
0x1a9: {  	s17 =	sor.u32 s22, s17;
	[sflag:s13] =	ssyncadd.s32 $0xFFFFC000  }
0x1aa: {  	v0 =	vld [tilespmem:s17+$0x18070]  }
0x1ab: {  	v2 =	vld [tilespmem:s17+$0x70]  }
0x1ac: {  	v3 =	vld [tilespmem:s17+$0x18000]  }
0x1ad: {  	v5 =	vld [tilespmem:s17+$0x0]  }
0x1ae: {  	v6 =	vld [tilespmem:s17+$0x18010]  }
0x1af: {  	v7 =	vld [tilespmem:s17+$0x10]  }
0x1b0: {  	v1 =	vld [tilespmem:s17+$0x18020]  }
0x1b1: {  	v4 =	vld [tilespmem:s17+$0x20];
	v2 =	vadd.f32 v2, v0  }
0x1b2: {  	v5 =	vadd.f32 v5, v3;
	v0 =	vld [tilespmem:s17+$0x18030]  }
0x1b3: {  	v3 =	vld [tilespmem:s17+$0x30];
	[tilespmem:s17+$0x18070] =	vst v2  }
0x1b4: {  	s19 =	simm.s32 $0x0;
	[tilespmem:s17+$0x18000] =	vst v5;
	v5 =	vadd.f32 v7, v6;
	v2 =	vld [tilespmem:s17+$0x18040]  }
.LBB2_18:
0x1b5: {  	s19 =	sadd.s32 $0x8, s19;
	v6 =	vld [tilespmem:s17+$0x40]  }
0x1b6: {  	s18 =	sadd.s32 $0x400, s18;
	s20 =	sshll.u32 s19, $0x4;
	p0 =	slt.u32 s19, $0x3F8;
	[tilespmem:s17+$0x18010] =	vst v5;
	v1 =	vadd.f32 v4, v1;
	v4 =	vld [tilespmem:s17+$0x18050]  }
0x1b7: {  	s21 =	sand.u32 $0x1C00, s18;
	s22 =	sshll.u32 s19, $0x1;
	s20 =	sand.u32 $0x2000, s20;
	v5 =	vld [tilespmem:s17+$0x50]  }
0x1b8: {  	s20 =	sor.u32 s21, s20;
	s21 =	sand.u32 $0x380, s22;
	[tilespmem:s17+$0x18020] =	vst v1;
	v0 =	vadd.f32 v3, v0;
	v1 =	vld [tilespmem:s17+$0x18060]  }
0x1b9: {  	s20 =	sor.u32 s21, s20;
	v3 =	vld [tilespmem:s17+$0x60]  }
0x1ba: {  	v7 =	vld [tilespmem:s20+$0x18070];
	[tilespmem:s17+$0x18030] =	vst v0;
	v0 =	vadd.f32 v6, v2  }
0x1bb: {  	v2 =	vld [tilespmem:s20+$0x70]  }
0x1bc: {  	v6 =	vld [tilespmem:s20+$0x18000];
	[tilespmem:s17+$0x18040] =	vst v0;
	v0 =	vadd.f32 v5, v4  }
0x1bd: {  	v5 =	vld [tilespmem:s20+$0x0]  }
0x1be: {  	v8 =	vld [tilespmem:s20+$0x18010];
	[tilespmem:s17+$0x18050] =	vst v0;
	v0 =	vadd.f32 v3, v1  }
0x1bf: {  	v9 =	vld [tilespmem:s20+$0x10]  }
.Ltmp8:
0x1c0: {  	v1 =	vld [tilespmem:s20+$0x18020];
	v2 =	vadd.f32 v2, v7;
	[tilespmem:s17+$0x18060] =	vst v0;
	s17 =	smov.u32 s20;
	(pc) =	sbr.rel @p0 .LBB2_18-.Ltmp8, $4  }
0x1c1: {  	v4 =	vld [tilespmem:s17+$0x20]  }
0x1c2: {  	v5 =	vadd.f32 v5, v6;
	v0 =	vld [tilespmem:s17+$0x18030];
	[tilespmem:s17+$0x18070] =	vst v2  }
0x1c3: {  	v3 =	vld [tilespmem:s17+$0x30]  }
0x1c4: {  	[tilespmem:s17+$0x18000] =	vst v5;
	v5 =	vadd.f32 v9, v8;
	v2 =	vld [tilespmem:s17+$0x18040]  }
0x1c5: {  	v6 =	vld [tilespmem:s17+$0x40]  }
0x1c6: {  	v7 =	vld [tilespmem:s17+$0x18050]  }
0x1c7: {  	v8 =	vld [tilespmem:s17+$0x50]  }
0x1c8: {  	v9 =	vld [tilespmem:s17+$0x18060]  }
0x1c9: {  	v10 =	vld [tilespmem:s17+$0x60]  }
0x1ca: {  	v1 =	vadd.f32 v4, v1  }
0x1cb: {  	[tilespmem:s17+$0x18010] =	vst v5;
	v0 =	vadd.f32 v3, v0  }
0x1cc: {  	[tilespmem:s17+$0x18020] =	vst v1;
	v1 =	vadd.f32 v6, v2  }
0x1cd: {  	[tilespmem:s17+$0x18030] =	vst v0;
	v0 =	vadd.f32 v8, v7  }
0x1ce: {  	[tilespmem:s17+$0x18040] =	vst v1;
	v1 =	vadd.f32 v10, v9  }
0x1cf: {  	[tilespmem:s17+$0x18050] =	vst v0  }
0x1d0: {  	[tilespmem:s17+$0x18060] =	vst v1  }
0x1d1: {  	s18 =	simm.s32 $0x0;
	s17 =	rddreg [dreg:$0x15]  }
0x1d2: {  	[hbm4b:s17+s18] =	stream.linear.scatter [tilespmem:s10], [sflag:$0x6], $0x4000, $0x38;
	[tilespmem:$0x1C000] =	vst v63  }
0x1d3: {  	_ =	swait.ge [sflag:s14], $0x4000  }
0x1d4: {  	s22 =	simm.s32 $0x0;
	[sflag:s14] =	ssyncset.done $0x0  }
0x1d5: {  	s19 =	simm.s32 $0x0;
	s21 =	rddreg [dreg:$0x17];
	[sflag:s14] =	ssyncadd.s32 $0xFFFFC000  }
0x1d6: {  	[tilespmem:s8], [sflag:$0x2] =	stream.linear.gather [hbm4b:s21+s18], $0x4000, $0x38;
	[tilespmem:$0x1C000] =	vst v63  }
0x1d7: {  	s19 =	sand.u32 $0x380, s19;
	s17 =	sand.u32 $0x2000, s22;
	_ =	swait.ge [sflag:s9], $0x4000  }
0x1d8: {  	s20 =	sand.u32 $0x1C00, s18;
	s17 =	sor.u32 s19, s17;
	[sflag:s9] =	ssyncset.done $0x0  }
0x1d9: {  	s17 =	sor.u32 s20, s17;
	[sflag:s9] =	ssyncadd.s32 $0xFFFFC000  }
0x1da: {  	v0 =	vld [tilespmem:s17+$0x10070]  }
0x1db: {  	v2 =	vld [tilespmem:s17+$0x4070]  }
0x1dc: {  	v3 =	vld [tilespmem:s17+$0x10000]  }
0x1dd: {  	v5 =	vld [tilespmem:s17+$0x4000]  }
0x1de: {  	v6 =	vld [tilespmem:s17+$0x10010]  }
0x1df: {  	v7 =	vld [tilespmem:s17+$0x4010]  }
0x1e0: {  	v1 =	vld [tilespmem:s17+$0x10020]  }
0x1e1: {  	v4 =	vld [tilespmem:s17+$0x4020];
	v2 =	vadd.f32 v2, v0  }
0x1e2: {  	v5 =	vadd.f32 v5, v3;
	v0 =	vld [tilespmem:s17+$0x10030]  }
0x1e3: {  	v3 =	vld [tilespmem:s17+$0x4030];
	[tilespmem:s17+$0x10070] =	vst v2  }
0x1e4: {  	s19 =	simm.s32 $0x0;
	[tilespmem:s17+$0x10000] =	vst v5;
	v5 =	vadd.f32 v7, v6;
	v2 =	vld [tilespmem:s17+$0x10040]  }
.LBB2_20:
0x1e5: {  	s19 =	sadd.s32 $0x8, s19;
	v6 =	vld [tilespmem:s17+$0x4040]  }
0x1e6: {  	s20 =	sshll.u32 s19, $0x4;
	s21 =	sshll.u32 s19, $0x1;
	p0 =	slt.u32 s19, $0x3F8;
	[tilespmem:s17+$0x10010] =	vst v5;
	v1 =	vadd.f32 v4, v1;
	v4 =	vld [tilespmem:s17+$0x10050]  }
0x1e7: {  	s18 =	sadd.s32 $0x400, s18;
	s20 =	sand.u32 $0x2000, s20;
	s21 =	sand.u32 $0x380, s21;
	v5 =	vld [tilespmem:s17+$0x4050]  }
0x1e8: {  	s22 =	sand.u32 $0x1C00, s18;
	s20 =	sor.u32 s21, s20;
	[tilespmem:s17+$0x10020] =	vst v1;
	v0 =	vadd.f32 v3, v0;
	v1 =	vld [tilespmem:s17+$0x10060]  }
0x1e9: {  	s20 =	sor.u32 s22, s20;
	v3 =	vld [tilespmem:s17+$0x4060]  }
0x1ea: {  	v7 =	vld [tilespmem:s20+$0x10070];
	[tilespmem:s17+$0x10030] =	vst v0;
	v0 =	vadd.f32 v6, v2  }
0x1eb: {  	v2 =	vld [tilespmem:s20+$0x4070]  }
0x1ec: {  	v6 =	vld [tilespmem:s20+$0x10000];
	[tilespmem:s17+$0x10040] =	vst v0;
	v0 =	vadd.f32 v5, v4  }
0x1ed: {  	v5 =	vld [tilespmem:s20+$0x4000]  }
0x1ee: {  	v8 =	vld [tilespmem:s20+$0x10010];
	[tilespmem:s17+$0x10050] =	vst v0;
	v0 =	vadd.f32 v3, v1  }
0x1ef: {  	v9 =	vld [tilespmem:s20+$0x4010]  }
.Ltmp9:
0x1f0: {  	v1 =	vld [tilespmem:s20+$0x10020];
	v2 =	vadd.f32 v2, v7;
	[tilespmem:s17+$0x10060] =	vst v0;
	s17 =	smov.u32 s20;
	(pc) =	sbr.rel @p0 .LBB2_20-.Ltmp9, $4  }
0x1f1: {  	v4 =	vld [tilespmem:s17+$0x4020]  }
0x1f2: {  	v5 =	vadd.f32 v5, v6;
	v0 =	vld [tilespmem:s17+$0x10030];
	[tilespmem:s17+$0x10070] =	vst v2  }
0x1f3: {  	v3 =	vld [tilespmem:s17+$0x4030]  }
0x1f4: {  	[tilespmem:s17+$0x10000] =	vst v5;
	v5 =	vadd.f32 v9, v8;
	v2 =	vld [tilespmem:s17+$0x10040]  }
0x1f5: {  	v6 =	vld [tilespmem:s17+$0x4040]  }
0x1f6: {  	v7 =	vld [tilespmem:s17+$0x10050]  }
0x1f7: {  	v8 =	vld [tilespmem:s17+$0x4050]  }
0x1f8: {  	v9 =	vld [tilespmem:s17+$0x10060]  }
0x1f9: {  	v10 =	vld [tilespmem:s17+$0x4060]  }
0x1fa: {  	v1 =	vadd.f32 v4, v1  }
0x1fb: {  	[tilespmem:s17+$0x10010] =	vst v5;
	v0 =	vadd.f32 v3, v0  }
0x1fc: {  	[tilespmem:s17+$0x10020] =	vst v1;
	v1 =	vadd.f32 v6, v2  }
0x1fd: {  	[tilespmem:s17+$0x10030] =	vst v0;
	v0 =	vadd.f32 v8, v7  }
0x1fe: {  	[tilespmem:s17+$0x10040] =	vst v1;
	v1 =	vadd.f32 v10, v9  }
0x1ff: {  	[tilespmem:s17+$0x10050] =	vst v0  }
0x200: {  	[tilespmem:s17+$0x10060] =	vst v1  }
0x201: {  	s18 =	simm.s32 $0x0;
	s17 =	rddreg [dreg:$0x16]  }
0x202: {  	[hbm4b:s17+s18] =	stream.linear.scatter [tilespmem:s7], [sflag:$0x4], $0x4000, $0x38;
	[tilespmem:$0x1C000] =	vst v63  }
0x203: {  	_ =	swait.ge [sflag:s15], $0x4000  }
0x204: {  	[sflag:s15] =	ssyncset.done $0x0  }
0x205: {  	s22 =	simm.s32 $0x0;
	s19 =	simm.s32 $0x0;
	[sflag:s15] =	ssyncadd.s32 $0xFFFFC000  }
0x206: {  	[tilespmem:s10], [sflag:$0x3] =	stream.linear.gather [hbm4b:s23+s18], $0x4000, $0x38;
	[tilespmem:$0x1C000] =	vst v63  }
0x207: {  	s19 =	sand.u32 $0x380, s19;
	s17 =	sand.u32 $0x2000, s22;
	_ =	swait.ge [sflag:s11], $0x4000  }
0x208: {  	s20 =	sand.u32 $0x1C00, s18;
	s17 =	sor.u32 s19, s17;
	[sflag:s11] =	ssyncset.done $0x0  }
0x209: {  	s17 =	sor.u32 s20, s17;
	[sflag:s11] =	ssyncadd.s32 $0xFFFFC000  }
0x20a: {  	v0 =	vld [tilespmem:s17+$0x14070]  }
0x20b: {  	v2 =	vld [tilespmem:s17+$0x8070]  }
0x20c: {  	v3 =	vld [tilespmem:s17+$0x14000]  }
0x20d: {  	v5 =	vld [tilespmem:s17+$0x8000]  }
0x20e: {  	v6 =	vld [tilespmem:s17+$0x14010]  }
0x20f: {  	v7 =	vld [tilespmem:s17+$0x8010]  }
0x210: {  	v1 =	vld [tilespmem:s17+$0x14020]  }
0x211: {  	v4 =	vld [tilespmem:s17+$0x8020];
	v2 =	vadd.f32 v2, v0  }
0x212: {  	v5 =	vadd.f32 v5, v3;
	v0 =	vld [tilespmem:s17+$0x14030]  }
0x213: {  	v3 =	vld [tilespmem:s17+$0x8030];
	[tilespmem:s17+$0x14070] =	vst v2  }
0x214: {  	s19 =	simm.s32 $0x0;
	[tilespmem:s17+$0x14000] =	vst v5;
	v5 =	vadd.f32 v7, v6;
	v2 =	vld [tilespmem:s17+$0x14040]  }
.LBB2_22:
0x215: {  	s19 =	sadd.s32 $0x8, s19;
	v6 =	vld [tilespmem:s17+$0x8040]  }
0x216: {  	s20 =	sshll.u32 s19, $0x4;
	s21 =	sshll.u32 s19, $0x1;
	p0 =	slt.u32 s19, $0x3F8;
	[tilespmem:s17+$0x14010] =	vst v5;
	v1 =	vadd.f32 v4, v1;
	v4 =	vld [tilespmem:s17+$0x14050]  }
0x217: {  	s18 =	sadd.s32 $0x400, s18;
	s20 =	sand.u32 $0x2000, s20;
	s21 =	sand.u32 $0x380, s21;
	v5 =	vld [tilespmem:s17+$0x8050]  }
0x218: {  	s22 =	sand.u32 $0x1C00, s18;
	s20 =	sor.u32 s21, s20;
	[tilespmem:s17+$0x14020] =	vst v1;
	v0 =	vadd.f32 v3, v0;
	v1 =	vld [tilespmem:s17+$0x14060]  }
0x219: {  	s20 =	sor.u32 s22, s20;
	v3 =	vld [tilespmem:s17+$0x8060]  }
0x21a: {  	v7 =	vld [tilespmem:s20+$0x14070];
	[tilespmem:s17+$0x14030] =	vst v0;
	v0 =	vadd.f32 v6, v2  }
0x21b: {  	v2 =	vld [tilespmem:s20+$0x8070]  }
0x21c: {  	v6 =	vld [tilespmem:s20+$0x14000];
	[tilespmem:s17+$0x14040] =	vst v0;
	v0 =	vadd.f32 v5, v4  }
0x21d: {  	v5 =	vld [tilespmem:s20+$0x8000]  }
0x21e: {  	v8 =	vld [tilespmem:s20+$0x14010];
	[tilespmem:s17+$0x14050] =	vst v0;
	v0 =	vadd.f32 v3, v1  }
0x21f: {  	v9 =	vld [tilespmem:s20+$0x8010]  }
.Ltmp10:
0x220: {  	v1 =	vld [tilespmem:s20+$0x14020];
	v2 =	vadd.f32 v2, v7;
	[tilespmem:s17+$0x14060] =	vst v0;
	s17 =	smov.u32 s20;
	(pc) =	sbr.rel @p0 .LBB2_22-.Ltmp10, $4  }
0x221: {  	v4 =	vld [tilespmem:s17+$0x8020]  }
0x222: {  	v5 =	vadd.f32 v5, v6;
	v0 =	vld [tilespmem:s17+$0x14030];
	[tilespmem:s17+$0x14070] =	vst v2  }
0x223: {  	v3 =	vld [tilespmem:s17+$0x8030]  }
0x224: {  	[tilespmem:s17+$0x14000] =	vst v5;
	v5 =	vadd.f32 v9, v8;
	v2 =	vld [tilespmem:s17+$0x14040]  }
0x225: {  	v6 =	vld [tilespmem:s17+$0x8040]  }
0x226: {  	v7 =	vld [tilespmem:s17+$0x14050]  }
0x227: {  	v8 =	vld [tilespmem:s17+$0x8050]  }
0x228: {  	v9 =	vld [tilespmem:s17+$0x14060]  }
0x229: {  	v10 =	vld [tilespmem:s17+$0x8060]  }
0x22a: {  	v1 =	vadd.f32 v4, v1  }
0x22b: {  	[tilespmem:s17+$0x14010] =	vst v5;
	v0 =	vadd.f32 v3, v0  }
0x22c: {  	[tilespmem:s17+$0x14020] =	vst v1;
	v1 =	vadd.f32 v6, v2  }
0x22d: {  	[tilespmem:s17+$0x14030] =	vst v0;
	v0 =	vadd.f32 v8, v7  }
0x22e: {  	[tilespmem:s17+$0x14040] =	vst v1;
	v1 =	vadd.f32 v10, v9  }
0x22f: {  	[tilespmem:s17+$0x14050] =	vst v0  }
0x230: {  	[tilespmem:s17+$0x14060] =	vst v1  }
0x231: {  	s18 =	simm.s32 $0x0;
	s17 =	rddreg [dreg:$0x18]  }
0x232: {  	[hbm4b:s17+s18] =	stream.linear.scatter [tilespmem:s8], [sflag:$0x5], $0x4000, $0x38;
	[tilespmem:$0x1C000] =	vst v63  }
0x233: {  	_ =	swait.ge [sflag:s12], $0x4000  }
0x234: {  	[sflag:s12] =	ssyncset.done $0x0  }
0x235: {  	s22 =	simm.s32 $0x0;
	s19 =	simm.s32 $0x0;
	[sflag:s12] =	ssyncadd.s32 $0xFFFFC000  }
0x236: {  	[tilespmem:s7], [sflag:$0x1] =	stream.linear.gather [hbm4b:s25+s18], $0x4000, $0x38;
	[tilespmem:$0x1C000] =	vst v63  }
0x237: {  	s19 =	sand.u32 $0x380, s19;
	s17 =	sand.u32 $0x2000, s22;
	_ =	swait.ge [sflag:s13], $0x4000  }
0x238: {  	s20 =	sand.u32 $0x1C00, s18;
	s17 =	sor.u32 s19, s17;
	[sflag:s13] =	ssyncset.done $0x0  }
0x239: {  	s17 =	sor.u32 s20, s17;
	[sflag:s13] =	ssyncadd.s32 $0xFFFFC000  }
0x23a: {  	v0 =	vld [tilespmem:s17+$0x18070]  }
0x23b: {  	v2 =	vld [tilespmem:s17+$0xC070]  }
0x23c: {  	v3 =	vld [tilespmem:s17+$0x18000]  }
0x23d: {  	v5 =	vld [tilespmem:s17+$0xC000]  }
0x23e: {  	v6 =	vld [tilespmem:s17+$0x18010]  }
0x23f: {  	v7 =	vld [tilespmem:s17+$0xC010]  }
0x240: {  	v1 =	vld [tilespmem:s17+$0x18020]  }
0x241: {  	v4 =	vld [tilespmem:s17+$0xC020];
	v2 =	vadd.f32 v2, v0  }
0x242: {  	v5 =	vadd.f32 v5, v3;
	v0 =	vld [tilespmem:s17+$0x18030]  }
0x243: {  	v3 =	vld [tilespmem:s17+$0xC030];
	[tilespmem:s17+$0x18070] =	vst v2  }
0x244: {  	s19 =	simm.s32 $0x0;
	[tilespmem:s17+$0x18000] =	vst v5;
	v5 =	vadd.f32 v7, v6;
	v2 =	vld [tilespmem:s17+$0x18040]  }
.LBB2_24:
0x245: {  	s19 =	sadd.s32 $0x8, s19;
	v6 =	vld [tilespmem:s17+$0xC040]  }
0x246: {  	s20 =	sshll.u32 s19, $0x4;
	s21 =	sshll.u32 s19, $0x1;
	p0 =	slt.u32 s19, $0x3F8;
	[tilespmem:s17+$0x18010] =	vst v5;
	v1 =	vadd.f32 v4, v1;
	v4 =	vld [tilespmem:s17+$0x18050]  }
0x247: {  	s18 =	sadd.s32 $0x400, s18;
	s20 =	sand.u32 $0x2000, s20;
	s21 =	sand.u32 $0x380, s21;
	v5 =	vld [tilespmem:s17+$0xC050]  }
0x248: {  	s22 =	sand.u32 $0x1C00, s18;
	s20 =	sor.u32 s21, s20;
	[tilespmem:s17+$0x18020] =	vst v1;
	v0 =	vadd.f32 v3, v0;
	v1 =	vld [tilespmem:s17+$0x18060]  }
0x249: {  	s20 =	sor.u32 s22, s20;
	v3 =	vld [tilespmem:s17+$0xC060]  }
0x24a: {  	v7 =	vld [tilespmem:s20+$0x18070];
	[tilespmem:s17+$0x18030] =	vst v0;
	v0 =	vadd.f32 v6, v2  }
0x24b: {  	v2 =	vld [tilespmem:s20+$0xC070]  }
0x24c: {  	v6 =	vld [tilespmem:s20+$0x18000];
	[tilespmem:s17+$0x18040] =	vst v0;
	v0 =	vadd.f32 v5, v4  }
0x24d: {  	v5 =	vld [tilespmem:s20+$0xC000]  }
0x24e: {  	v8 =	vld [tilespmem:s20+$0x18010];
	[tilespmem:s17+$0x18050] =	vst v0;
	v0 =	vadd.f32 v3, v1  }
0x24f: {  	v9 =	vld [tilespmem:s20+$0xC010]  }
.Ltmp11:
0x250: {  	v1 =	vld [tilespmem:s20+$0x18020];
	v2 =	vadd.f32 v2, v7;
	[tilespmem:s17+$0x18060] =	vst v0;
	s17 =	smov.u32 s20;
	(pc) =	sbr.rel @p0 .LBB2_24-.Ltmp11, $4  }
0x251: {  	v4 =	vld [tilespmem:s17+$0xC020]  }
0x252: {  	v5 =	vadd.f32 v5, v6;
	v0 =	vld [tilespmem:s17+$0x18030];
	[tilespmem:s17+$0x18070] =	vst v2  }
0x253: {  	v3 =	vld [tilespmem:s17+$0xC030]  }
0x254: {  	[tilespmem:s17+$0x18000] =	vst v5;
	v5 =	vadd.f32 v9, v8;
	v2 =	vld [tilespmem:s17+$0x18040]  }
0x255: {  	v6 =	vld [tilespmem:s17+$0xC040]  }
0x256: {  	v7 =	vld [tilespmem:s17+$0x18050]  }
0x257: {  	v8 =	vld [tilespmem:s17+$0xC050]  }
0x258: {  	v9 =	vld [tilespmem:s17+$0x18060]  }
0x259: {  	v10 =	vld [tilespmem:s17+$0xC060]  }
0x25a: {  	v1 =	vadd.f32 v4, v1  }
0x25b: {  	[tilespmem:s17+$0x18010] =	vst v5;
	v0 =	vadd.f32 v3, v0  }
0x25c: {  	[tilespmem:s17+$0x18020] =	vst v1;
	v1 =	vadd.f32 v6, v2  }
0x25d: {  	[tilespmem:s17+$0x18030] =	vst v0;
	v0 =	vadd.f32 v8, v7  }
0x25e: {  	[tilespmem:s17+$0x18040] =	vst v1;
	v1 =	vadd.f32 v10, v9  }
0x25f: {  	[tilespmem:s17+$0x18050] =	vst v0  }
0x260: {  	s18 =	simm.s32 $0x0;
	[tilespmem:s17+$0x18060] =	vst v1  }
0x261: {  	[hbm4b:s24+s18] =	stream.linear.scatter [tilespmem:s10], [sflag:$0x6], $0x4000, $0x38;
	[tilespmem:$0x1C000] =	vst v63  }
0x262: {  	_ =	swait.ge [sflag:s14], $0x4000  }
0x263: {  	[sflag:s14] =	ssyncset.done $0x0  }
0x264: {  	s21 =	simm.s32 $0x0;
	s20 =	simm.s32 $0x0;
	[sflag:s14] =	ssyncadd.s32 $0xFFFFC000  }
0x265: {  	[tilespmem:s8], [sflag:$0x2] =	stream.linear.gather [hbm4b:s28+s18], $0x4000, $0x38;
	[tilespmem:$0x1C000] =	vst v63  }
0x266: {  	s19 =	sand.u32 $0x1C00, s18;
	s17 =	sand.u32 $0x2000, s21;
	_ =	swait.ge [sflag:s9], $0x4000  }
0x267: {  	s22 =	sand.u32 $0x380, s20;
	s17 =	sor.u32 s19, s17;
	[sflag:s9] =	ssyncset.done $0x0  }
0x268: {  	s17 =	sor.u32 s22, s17;
	[sflag:s9] =	ssyncadd.s32 $0xFFFFC000  }
0x269: {  	v0 =	vld [tilespmem:s17+$0x10070]  }
0x26a: {  	v2 =	vld [tilespmem:s17+$0x70]  }
0x26b: {  	v3 =	vld [tilespmem:s17+$0x10000]  }
0x26c: {  	v5 =	vld [tilespmem:s17+$0x0]  }
0x26d: {  	v6 =	vld [tilespmem:s17+$0x10010]  }
0x26e: {  	v7 =	vld [tilespmem:s17+$0x10]  }
0x26f: {  	v1 =	vld [tilespmem:s17+$0x10020]  }
0x270: {  	v4 =	vld [tilespmem:s17+$0x20];
	v2 =	vadd.f32 v2, v0  }
0x271: {  	v5 =	vadd.f32 v5, v3;
	v0 =	vld [tilespmem:s17+$0x10030]  }
0x272: {  	v3 =	vld [tilespmem:s17+$0x30];
	[tilespmem:s17+$0x10070] =	vst v2  }
0x273: {  	s19 =	simm.s32 $0x0;
	[tilespmem:s17+$0x10000] =	vst v5;
	v5 =	vadd.f32 v7, v6;
	v2 =	vld [tilespmem:s17+$0x10040]  }
.LBB2_26:
0x274: {  	s19 =	sadd.s32 $0x8, s19;
	v6 =	vld [tilespmem:s17+$0x40]  }
0x275: {  	s18 =	sadd.s32 $0x400, s18;
	s20 =	sshll.u32 s19, $0x4;
	p0 =	slt.u32 s19, $0x3F8;
	[tilespmem:s17+$0x10010] =	vst v5;
	v1 =	vadd.f32 v4, v1;
	v4 =	vld [tilespmem:s17+$0x10050]  }
0x276: {  	s21 =	sand.u32 $0x1C00, s18;
	s22 =	sshll.u32 s19, $0x1;
	s20 =	sand.u32 $0x2000, s20;
	v5 =	vld [tilespmem:s17+$0x50]  }
0x277: {  	s20 =	sor.u32 s21, s20;
	s21 =	sand.u32 $0x380, s22;
	[tilespmem:s17+$0x10020] =	vst v1;
	v0 =	vadd.f32 v3, v0;
	v1 =	vld [tilespmem:s17+$0x10060]  }
0x278: {  	s20 =	sor.u32 s21, s20;
	v3 =	vld [tilespmem:s17+$0x60]  }
0x279: {  	v7 =	vld [tilespmem:s20+$0x10070];
	[tilespmem:s17+$0x10030] =	vst v0;
	v0 =	vadd.f32 v6, v2  }
0x27a: {  	v2 =	vld [tilespmem:s20+$0x70]  }
0x27b: {  	v6 =	vld [tilespmem:s20+$0x10000];
	[tilespmem:s17+$0x10040] =	vst v0;
	v0 =	vadd.f32 v5, v4  }
0x27c: {  	v5 =	vld [tilespmem:s20+$0x0]  }
0x27d: {  	v8 =	vld [tilespmem:s20+$0x10010];
	[tilespmem:s17+$0x10050] =	vst v0;
	v0 =	vadd.f32 v3, v1  }
0x27e: {  	v9 =	vld [tilespmem:s20+$0x10]  }
.Ltmp12:
0x27f: {  	v1 =	vld [tilespmem:s20+$0x10020];
	v2 =	vadd.f32 v2, v7;
	[tilespmem:s17+$0x10060] =	vst v0;
	s17 =	smov.u32 s20;
	(pc) =	sbr.rel @p0 .LBB2_26-.Ltmp12, $4  }
0x280: {  	v4 =	vld [tilespmem:s17+$0x20]  }
0x281: {  	v5 =	vadd.f32 v5, v6;
	v0 =	vld [tilespmem:s17+$0x10030];
	[tilespmem:s17+$0x10070] =	vst v2  }
0x282: {  	v3 =	vld [tilespmem:s17+$0x30]  }
0x283: {  	[tilespmem:s17+$0x10000] =	vst v5;
	v5 =	vadd.f32 v9, v8;
	v2 =	vld [tilespmem:s17+$0x10040]  }
0x284: {  	v6 =	vld [tilespmem:s17+$0x40]  }
0x285: {  	v7 =	vld [tilespmem:s17+$0x10050]  }
0x286: {  	v8 =	vld [tilespmem:s17+$0x50]  }
0x287: {  	v9 =	vld [tilespmem:s17+$0x10060]  }
0x288: {  	v10 =	vld [tilespmem:s17+$0x60]  }
0x289: {  	v1 =	vadd.f32 v4, v1  }
0x28a: {  	[tilespmem:s17+$0x10010] =	vst v5;
	v0 =	vadd.f32 v3, v0  }
0x28b: {  	[tilespmem:s17+$0x10020] =	vst v1;
	v1 =	vadd.f32 v6, v2  }
0x28c: {  	[tilespmem:s17+$0x10030] =	vst v0;
	v0 =	vadd.f32 v8, v7  }
0x28d: {  	[tilespmem:s17+$0x10040] =	vst v1;
	v1 =	vadd.f32 v10, v9  }
0x28e: {  	[tilespmem:s17+$0x10050] =	vst v0  }
0x28f: {  	s18 =	simm.s32 $0x0;
	[tilespmem:s17+$0x10060] =	vst v1  }
0x290: {  	[hbm4b:s26+s18] =	stream.linear.scatter [tilespmem:s7], [sflag:$0x4], $0x4000, $0x38;
	[tilespmem:$0x1C000] =	vst v63  }
0x291: {  	_ =	swait.ge [sflag:s15], $0x4000  }
0x292: {  	[sflag:s15] =	ssyncset.done $0x0  }
0x293: {  	s22 =	simm.s32 $0x0;
	s19 =	simm.s32 $0x0;
	[sflag:s15] =	ssyncadd.s32 $0xFFFFC000  }
0x294: {  	[tilespmem:s10], [sflag:$0x3] =	stream.linear.gather [hbm4b:s0+s18], $0x4000, $0x38;
	[tilespmem:$0x1C000] =	vst v63  }
0x295: {  	s19 =	sand.u32 $0x380, s19;
	s17 =	sand.u32 $0x2000, s22;
	_ =	swait.ge [sflag:s11], $0x4000  }
0x296: {  	s20 =	sand.u32 $0x1C00, s18;
	s17 =	sor.u32 s19, s17;
	[sflag:s11] =	ssyncset.done $0x0  }
0x297: {  	s17 =	sor.u32 s20, s17;
	[sflag:s11] =	ssyncadd.s32 $0xFFFFC000  }
0x298: {  	v0 =	vld [tilespmem:s17+$0x14070]  }
0x299: {  	v2 =	vld [tilespmem:s17+$0x4070]  }
0x29a: {  	v3 =	vld [tilespmem:s17+$0x14000]  }
0x29b: {  	v5 =	vld [tilespmem:s17+$0x4000]  }
0x29c: {  	v6 =	vld [tilespmem:s17+$0x14010]  }
0x29d: {  	v7 =	vld [tilespmem:s17+$0x4010]  }
0x29e: {  	v1 =	vld [tilespmem:s17+$0x14020]  }
0x29f: {  	v4 =	vld [tilespmem:s17+$0x4020];
	v2 =	vadd.f32 v2, v0  }
0x2a0: {  	v5 =	vadd.f32 v5, v3;
	v0 =	vld [tilespmem:s17+$0x14030]  }
0x2a1: {  	v3 =	vld [tilespmem:s17+$0x4030];
	[tilespmem:s17+$0x14070] =	vst v2  }
0x2a2: {  	s19 =	simm.s32 $0x0;
	[tilespmem:s17+$0x14000] =	vst v5;
	v5 =	vadd.f32 v7, v6;
	v2 =	vld [tilespmem:s17+$0x14040]  }
.LBB2_28:
0x2a3: {  	s19 =	sadd.s32 $0x8, s19;
	v6 =	vld [tilespmem:s17+$0x4040]  }
0x2a4: {  	s20 =	sshll.u32 s19, $0x4;
	s21 =	sshll.u32 s19, $0x1;
	p0 =	slt.u32 s19, $0x3F8;
	[tilespmem:s17+$0x14010] =	vst v5;
	v1 =	vadd.f32 v4, v1;
	v4 =	vld [tilespmem:s17+$0x14050]  }
0x2a5: {  	s18 =	sadd.s32 $0x400, s18;
	s20 =	sand.u32 $0x2000, s20;
	s21 =	sand.u32 $0x380, s21;
	v5 =	vld [tilespmem:s17+$0x4050]  }
0x2a6: {  	s22 =	sand.u32 $0x1C00, s18;
	s20 =	sor.u32 s21, s20;
	[tilespmem:s17+$0x14020] =	vst v1;
	v0 =	vadd.f32 v3, v0;
	v1 =	vld [tilespmem:s17+$0x14060]  }
0x2a7: {  	s20 =	sor.u32 s22, s20;
	v3 =	vld [tilespmem:s17+$0x4060]  }
0x2a8: {  	v7 =	vld [tilespmem:s20+$0x14070];
	[tilespmem:s17+$0x14030] =	vst v0;
	v0 =	vadd.f32 v6, v2  }
0x2a9: {  	v2 =	vld [tilespmem:s20+$0x4070]  }
0x2aa: {  	v6 =	vld [tilespmem:s20+$0x14000];
	[tilespmem:s17+$0x14040] =	vst v0;
	v0 =	vadd.f32 v5, v4  }
0x2ab: {  	v5 =	vld [tilespmem:s20+$0x4000]  }
0x2ac: {  	v8 =	vld [tilespmem:s20+$0x14010];
	[tilespmem:s17+$0x14050] =	vst v0;
	v0 =	vadd.f32 v3, v1  }
0x2ad: {  	v9 =	vld [tilespmem:s20+$0x4010]  }
.Ltmp13:
0x2ae: {  	v1 =	vld [tilespmem:s20+$0x14020];
	v2 =	vadd.f32 v2, v7;
	[tilespmem:s17+$0x14060] =	vst v0;
	s17 =	smov.u32 s20;
	(pc) =	sbr.rel @p0 .LBB2_28-.Ltmp13, $4  }
0x2af: {  	v4 =	vld [tilespmem:s17+$0x4020]  }
0x2b0: {  	v5 =	vadd.f32 v5, v6;
	v0 =	vld [tilespmem:s17+$0x14030];
	[tilespmem:s17+$0x14070] =	vst v2  }
0x2b1: {  	v3 =	vld [tilespmem:s17+$0x4030]  }
0x2b2: {  	[tilespmem:s17+$0x14000] =	vst v5;
	v5 =	vadd.f32 v9, v8;
	v2 =	vld [tilespmem:s17+$0x14040]  }
0x2b3: {  	v6 =	vld [tilespmem:s17+$0x4040]  }
0x2b4: {  	v7 =	vld [tilespmem:s17+$0x14050]  }
0x2b5: {  	v8 =	vld [tilespmem:s17+$0x4050]  }
0x2b6: {  	v9 =	vld [tilespmem:s17+$0x14060]  }
0x2b7: {  	v10 =	vld [tilespmem:s17+$0x4060]  }
0x2b8: {  	v1 =	vadd.f32 v4, v1  }
0x2b9: {  	[tilespmem:s17+$0x14010] =	vst v5;
	v0 =	vadd.f32 v3, v0  }
0x2ba: {  	[tilespmem:s17+$0x14020] =	vst v1;
	v1 =	vadd.f32 v6, v2  }
0x2bb: {  	[tilespmem:s17+$0x14030] =	vst v0;
	v0 =	vadd.f32 v8, v7  }
0x2bc: {  	[tilespmem:s17+$0x14040] =	vst v1;
	v1 =	vadd.f32 v10, v9  }
0x2bd: {  	[tilespmem:s17+$0x14050] =	vst v0  }
0x2be: {  	s18 =	simm.s32 $0x0;
	[tilespmem:s17+$0x14060] =	vst v1  }
0x2bf: {  	[hbm4b:s29+s18] =	stream.linear.scatter [tilespmem:s8], [sflag:$0x5], $0x4000, $0x38;
	[tilespmem:$0x1C000] =	vst v63  }
0x2c0: {  	_ =	swait.ge [sflag:s12], $0x4000  }
0x2c1: {  	[sflag:s12] =	ssyncset.done $0x0  }
0x2c2: {  	s22 =	simm.s32 $0x0;
	s19 =	simm.s32 $0x0;
	[sflag:s12] =	ssyncadd.s32 $0xFFFFC000  }
0x2c3: {  	[tilespmem:s7], [sflag:$0x1] =	stream.linear.gather [hbm4b:s2+s18], $0x4000, $0x38;
	[tilespmem:$0x1C000] =	vst v63  }
0x2c4: {  	s19 =	sand.u32 $0x380, s19;
	s17 =	sand.u32 $0x2000, s22;
	_ =	swait.ge [sflag:s13], $0x4000  }
0x2c5: {  	s20 =	sand.u32 $0x1C00, s18;
	s17 =	sor.u32 s19, s17;
	[sflag:s13] =	ssyncset.done $0x0  }
0x2c6: {  	s17 =	sor.u32 s20, s17;
	[sflag:s13] =	ssyncadd.s32 $0xFFFFC000  }
0x2c7: {  	v0 =	vld [tilespmem:s17+$0x18070]  }
0x2c8: {  	v2 =	vld [tilespmem:s17+$0x8070]  }
0x2c9: {  	v3 =	vld [tilespmem:s17+$0x18000]  }
0x2ca: {  	v5 =	vld [tilespmem:s17+$0x8000]  }
0x2cb: {  	v6 =	vld [tilespmem:s17+$0x18010]  }
0x2cc: {  	v7 =	vld [tilespmem:s17+$0x8010]  }
0x2cd: {  	v1 =	vld [tilespmem:s17+$0x18020]  }
0x2ce: {  	v4 =	vld [tilespmem:s17+$0x8020];
	v2 =	vadd.f32 v2, v0  }
0x2cf: {  	v5 =	vadd.f32 v5, v3;
	v0 =	vld [tilespmem:s17+$0x18030]  }
0x2d0: {  	v3 =	vld [tilespmem:s17+$0x8030];
	[tilespmem:s17+$0x18070] =	vst v2  }
0x2d1: {  	s19 =	simm.s32 $0x0;
	[tilespmem:s17+$0x18000] =	vst v5;
	v5 =	vadd.f32 v7, v6;
	v2 =	vld [tilespmem:s17+$0x18040]  }
.LBB2_30:
0x2d2: {  	s19 =	sadd.s32 $0x8, s19;
	v6 =	vld [tilespmem:s17+$0x8040]  }
0x2d3: {  	s20 =	sshll.u32 s19, $0x4;
	s21 =	sshll.u32 s19, $0x1;
	p0 =	slt.u32 s19, $0x3F8;
	[tilespmem:s17+$0x18010] =	vst v5;
	v1 =	vadd.f32 v4, v1;
	v4 =	vld [tilespmem:s17+$0x18050]  }
0x2d4: {  	s18 =	sadd.s32 $0x400, s18;
	s20 =	sand.u32 $0x2000, s20;
	s21 =	sand.u32 $0x380, s21;
	v5 =	vld [tilespmem:s17+$0x8050]  }
0x2d5: {  	s22 =	sand.u32 $0x1C00, s18;
	s20 =	sor.u32 s21, s20;
	[tilespmem:s17+$0x18020] =	vst v1;
	v0 =	vadd.f32 v3, v0;
	v1 =	vld [tilespmem:s17+$0x18060]  }
0x2d6: {  	s20 =	sor.u32 s22, s20;
	v3 =	vld [tilespmem:s17+$0x8060]  }
0x2d7: {  	v7 =	vld [tilespmem:s20+$0x18070];
	[tilespmem:s17+$0x18030] =	vst v0;
	v0 =	vadd.f32 v6, v2  }
0x2d8: {  	v2 =	vld [tilespmem:s20+$0x8070]  }
0x2d9: {  	v6 =	vld [tilespmem:s20+$0x18000];
	[tilespmem:s17+$0x18040] =	vst v0;
	v0 =	vadd.f32 v5, v4  }
0x2da: {  	v5 =	vld [tilespmem:s20+$0x8000]  }
0x2db: {  	v8 =	vld [tilespmem:s20+$0x18010];
	[tilespmem:s17+$0x18050] =	vst v0;
	v0 =	vadd.f32 v3, v1  }
0x2dc: {  	v9 =	vld [tilespmem:s20+$0x8010]  }
.Ltmp14:
0x2dd: {  	v1 =	vld [tilespmem:s20+$0x18020];
	v2 =	vadd.f32 v2, v7;
	[tilespmem:s17+$0x18060] =	vst v0;
	s17 =	smov.u32 s20;
	(pc) =	sbr.rel @p0 .LBB2_30-.Ltmp14, $4  }
0x2de: {  	v4 =	vld [tilespmem:s17+$0x8020]  }
0x2df: {  	v5 =	vadd.f32 v5, v6;
	v0 =	vld [tilespmem:s17+$0x18030];
	[tilespmem:s17+$0x18070] =	vst v2  }
0x2e0: {  	v3 =	vld [tilespmem:s17+$0x8030]  }
0x2e1: {  	[tilespmem:s17+$0x18000] =	vst v5;
	v5 =	vadd.f32 v9, v8;
	v2 =	vld [tilespmem:s17+$0x18040]  }
0x2e2: {  	v6 =	vld [tilespmem:s17+$0x8040]  }
0x2e3: {  	v7 =	vld [tilespmem:s17+$0x18050]  }
0x2e4: {  	v8 =	vld [tilespmem:s17+$0x8050]  }
0x2e5: {  	v9 =	vld [tilespmem:s17+$0x18060]  }
0x2e6: {  	v10 =	vld [tilespmem:s17+$0x8060]  }
0x2e7: {  	v1 =	vadd.f32 v4, v1  }
0x2e8: {  	[tilespmem:s17+$0x18010] =	vst v5;
	v0 =	vadd.f32 v3, v0  }
0x2e9: {  	[tilespmem:s17+$0x18020] =	vst v1;
	v1 =	vadd.f32 v6, v2  }
0x2ea: {  	[tilespmem:s17+$0x18030] =	vst v0;
	v0 =	vadd.f32 v8, v7  }
0x2eb: {  	[tilespmem:s17+$0x18040] =	vst v1;
	v1 =	vadd.f32 v10, v9  }
0x2ec: {  	[tilespmem:s17+$0x18050] =	vst v0  }
0x2ed: {  	s18 =	simm.s32 $0x0;
	s22 =	simm.s32 $0x0;
	s19 =	simm.s32 $0x0;
	[tilespmem:s17+$0x18060] =	vst v1  }
0x2ee: {  	[hbm4b:s3+s18] =	stream.linear.scatter [tilespmem:s10], [sflag:$0x6], $0x4000, $0x38;
	[tilespmem:$0x1C000] =	vst v63  }
0x2ef: {  	s19 =	sand.u32 $0x380, s19;
	s17 =	sand.u32 $0x2000, s22;
	_ =	swait.ge [sflag:s9], $0x4000  }
0x2f0: {  	s20 =	sand.u32 $0x1C00, s18;
	s17 =	sor.u32 s19, s17;
	[sflag:s9] =	ssyncset.done $0x0  }
0x2f1: {  	s17 =	sor.u32 s20, s17;
	[sflag:s9] =	ssyncadd.s32 $0xFFFFC000  }
0x2f2: {  	v0 =	vld [tilespmem:s17+$0x10070]  }
0x2f3: {  	v2 =	vld [tilespmem:s17+$0xC070]  }
0x2f4: {  	v3 =	vld [tilespmem:s17+$0x10000]  }
0x2f5: {  	v5 =	vld [tilespmem:s17+$0xC000]  }
0x2f6: {  	v6 =	vld [tilespmem:s17+$0x10010]  }
0x2f7: {  	v7 =	vld [tilespmem:s17+$0xC010]  }
0x2f8: {  	v1 =	vld [tilespmem:s17+$0x10020]  }
0x2f9: {  	v4 =	vld [tilespmem:s17+$0xC020];
	v2 =	vadd.f32 v2, v0  }
0x2fa: {  	v5 =	vadd.f32 v5, v3;
	v0 =	vld [tilespmem:s17+$0x10030]  }
0x2fb: {  	v3 =	vld [tilespmem:s17+$0xC030];
	[tilespmem:s17+$0x10070] =	vst v2  }
0x2fc: {  	s19 =	simm.s32 $0x0;
	[tilespmem:s17+$0x10000] =	vst v5;
	v5 =	vadd.f32 v7, v6;
	v2 =	vld [tilespmem:s17+$0x10040]  }
.LBB2_32:
0x2fd: {  	s19 =	sadd.s32 $0x8, s19;
	v6 =	vld [tilespmem:s17+$0xC040]  }
0x2fe: {  	s20 =	sshll.u32 s19, $0x4;
	s21 =	sshll.u32 s19, $0x1;
	p0 =	slt.u32 s19, $0x3F8;
	[tilespmem:s17+$0x10010] =	vst v5;
	v1 =	vadd.f32 v4, v1;
	v4 =	vld [tilespmem:s17+$0x10050]  }
0x2ff: {  	s18 =	sadd.s32 $0x400, s18;
	s20 =	sand.u32 $0x2000, s20;
	s21 =	sand.u32 $0x380, s21;
	v5 =	vld [tilespmem:s17+$0xC050]  }
0x300: {  	s22 =	sand.u32 $0x1C00, s18;
	s20 =	sor.u32 s21, s20;
	[tilespmem:s17+$0x10020] =	vst v1;
	v0 =	vadd.f32 v3, v0;
	v1 =	vld [tilespmem:s17+$0x10060]  }
0x301: {  	s20 =	sor.u32 s22, s20;
	v3 =	vld [tilespmem:s17+$0xC060]  }
0x302: {  	v7 =	vld [tilespmem:s20+$0x10070];
	[tilespmem:s17+$0x10030] =	vst v0;
	v0 =	vadd.f32 v6, v2  }
0x303: {  	v2 =	vld [tilespmem:s20+$0xC070]  }
0x304: {  	v6 =	vld [tilespmem:s20+$0x10000];
	[tilespmem:s17+$0x10040] =	vst v0;
	v0 =	vadd.f32 v5, v4  }
0x305: {  	v5 =	vld [tilespmem:s20+$0xC000]  }
0x306: {  	v8 =	vld [tilespmem:s20+$0x10010];
	[tilespmem:s17+$0x10050] =	vst v0;
	v0 =	vadd.f32 v3, v1  }
0x307: {  	v9 =	vld [tilespmem:s20+$0xC010]  }
.Ltmp15:
0x308: {  	v1 =	vld [tilespmem:s20+$0x10020];
	v2 =	vadd.f32 v2, v7;
	[tilespmem:s17+$0x10060] =	vst v0;
	s17 =	smov.u32 s20;
	(pc) =	sbr.rel @p0 .LBB2_32-.Ltmp15, $4  }
0x309: {  	v4 =	vld [tilespmem:s17+$0xC020]  }
0x30a: {  	v5 =	vadd.f32 v5, v6;
	v0 =	vld [tilespmem:s17+$0x10030];
	[tilespmem:s17+$0x10070] =	vst v2  }
0x30b: {  	v3 =	vld [tilespmem:s17+$0xC030]  }
0x30c: {  	[tilespmem:s17+$0x10000] =	vst v5;
	v5 =	vadd.f32 v9, v8;
	v2 =	vld [tilespmem:s17+$0x10040]  }
0x30d: {  	v6 =	vld [tilespmem:s17+$0xC040]  }
0x30e: {  	v7 =	vld [tilespmem:s17+$0x10050]  }
0x30f: {  	v8 =	vld [tilespmem:s17+$0xC050]  }
0x310: {  	v9 =	vld [tilespmem:s17+$0x10060]  }
0x311: {  	v10 =	vld [tilespmem:s17+$0xC060]  }
0x312: {  	v1 =	vadd.f32 v4, v1  }
0x313: {  	[tilespmem:s17+$0x10010] =	vst v5;
	v0 =	vadd.f32 v3, v0  }
0x314: {  	[tilespmem:s17+$0x10020] =	vst v1;
	v61 =	vadd.f32 v6, v2  }
0x315: {  	[tilespmem:s17+$0x10030] =	vst v0;
	v62 =	vadd.f32 v8, v7  }
0x316: {  	v63 =	vadd.f32 v10, v9;
	[tilespmem:s17+$0x10040] =	vst v61  }
0x317: {  	[tilespmem:s17+$0x10050] =	vst v62  }
0x318: {  	s16 =	sadd.s32 $0x1, s16;
	[tilespmem:s17+$0x10060] =	vst v63  }
0x319: {  	[hbm4b:s4+s1] =	stream.linear.scatter [tilespmem:s7], [sflag:$0x4], $0x4000, $0x38;
	[tilespmem:$0x1C000] =	vst v63  }
0x31a: {  	p0 =	sne.s32 s16, s5;
	_ =	swait.ge [sflag:s15], $0x4000  }
.Ltmp16:
0x31b: {  	[sflag:s15] =	ssyncset.done $0x0;
	(pc) =	sbr.rel @p0 .LBB2_1-.Ltmp16, $4  }
0x31c: {  	[sflag:s15] =	ssyncadd.s32 $0xFFFFC000  }
0x31d: {  	_ =	swait.ge [sflag:s12], $0x4000  }
0x31e: {  	[sflag:s12] =	ssyncset.done $0x0  }
0x31f: {  	[sflag:s12] =	ssyncadd.s32 $0xFFFFC000  }
0x320: {  	_ =	sfence.sel $0x180000  }
0x321: {  	[bflag:$0x0] =	sbarrier.arrive $0xFFFF  }
0x322: {  	_ =	strace $0x90000047  }
0x323: {  	s0 =	stileid.u32;
	[bflag:$0x2] =	sbarrier.arrive $0xFFFF  }
0x324: {  	p0 =	sne.s32 s0, $0x0;
	s0 =	rddreg [dreg:$0x3]  }
0x325: {  	s0 =	sadd.s32 @!p0 $0x100000, s0  }
0x326: {  	[sflag:s0] =	ssyncadd.tile.s32 @!p0 $0x1;
	_ =	shalt  }
.Lfunc_end2:
_tile_overlayer_lowered:
.L_overlay_start_2:
0x327: {  	(tag) =	ssettag $0x2  }
0x328: {  	s0 =	rddreg [dreg:$0x0];
	s2 =	stileid.u32  }
0x329: {  	s1 =	rddreg [dreg:$0x1];
	p0 =	sne.s32 s2, $0x0  }
0x32a: {  	s3 =	rddreg [dreg:$0x2];
	[bflag:$0x3] =	sbarrier.arrive $0xFFFF;
	s2 =	simm.s32 @!p0 $0x1C07  }
0x32b: {  	[timem:s3], [sflag:s2] =	dma.local @!p0 [hbm:s0], s1  }
0x32c: {  	s0 =	simm.s32 @!p0 $0x7  }
0x32d: {  	_ =	swait.ge @!p0 [sflag:s0], s1  }
0x32e: {  	s1 =	ssub.s32 @!p0 $0x0, s1;
	[sflag:s0] =	ssyncset.done @!p0 $0x0  }
0x32f: {  	[sflag:s0] =	ssyncadd.s32 @!p0 s1  }
0x330: {  	[bflag:$0x3] =	sbarrier.arrive $0xFFFF  }
0x331: {  	_ =	shalt  }

</sc_bundles>
